<compile_context>
chip_gen: v7x
topology: tpu7x:2x2x1
jax: 0.10.2.dev20260603
libtpu: 0.0.44.dev20260713+nightly
codegen_flags: <defaults>
</compile_context>

<pallas_src>
import functools

import jax
import jax.numpy as jnp
import numpy as np
from jax import lax
from jax.experimental import pallas as pl
from jax.experimental.pallas import tpu as pltpu
from jax.experimental.pallas import tpu_sc as plsc

N = 10000
E = 320000
D = 128
H = 128
R = 64
G = 64
EPS = 1e-5

NP_ = 10240
NB = 1280
NBLK = NP_ // NB
NWORK = 32
K = 128
EPW = ((E + NWORK * K - 1) // (NWORK * K)) * K
EPAD = EPW * NWORK
NCHUNK = EPW // K
ROWS_PER_TILE = NP_ // 16

_mesh = plsc.VectorSubcoreMesh(core_axis_name="c", subcore_axis_name="s")



@functools.partial(
    pl.kernel,
    out_type=jax.ShapeDtypeStruct((NWORK, NP_), jnp.float32),
    mesh=_mesh,
    compiler_params=pltpu.CompilerParams(needs_layout_passes=False),
    scratch_types=[
        pltpu.VMEM((K,), jnp.int32),
        pltpu.VMEM((NP_,), jnp.float32),
    ],
)
def _deg_partials(dst_hbm, out_hbm, dst_v, deg_v):
    c = lax.axis_index("c")
    s = lax.axis_index("s")
    wid = s * 2 + c

    def zero(i, _):
        deg_v[pl.ds(i * 16, 16)] = jnp.zeros((16,), jnp.float32)
        return 0
    lax.fori_loop(0, NP_ // 16, zero, 0)

    ones16 = jnp.ones((16,), jnp.float32)
    base = wid * EPW

    def body(i, _):
        off = pl.multiple_of(base + i * K, 8)
        pltpu.sync_copy(dst_hbm.at[pl.ds(off, K)], dst_v)
        for k in range(K // 16):
            idx = dst_v[pl.ds(k * 16, 16)]
            plsc.addupdate_scatter(deg_v, [idx], ones16)
        return 0
    lax.fori_loop(0, NCHUNK, body, 0)

    pltpu.sync_copy(deg_v, out_hbm.at[wid])



@functools.partial(
    pl.kernel,
    out_type=jax.ShapeDtypeStruct((2, NP_, D), jnp.float32),
    mesh=_mesh,
    scratch_types=[
        pltpu.VMEM((K,), jnp.int32),
        pltpu.VMEM((K,), jnp.int32),
        pltpu.VMEM((K, D), jnp.float32),
        pltpu.VMEM_SHARED((NP_, D), jnp.float32),
        pltpu.SemaphoreType.DMA,
    ],
)
def _edge_scatter(z_hbm, src_hbm, dst_hbm, out_hbm, src_v, dst_v, rows_v, acc, sem):
    c = lax.axis_index("c")
    s = lax.axis_index("s")
    wid = s * 2 + c

    def zrow(j, _):
        def zcol(k, _):
            rows_v[j, pl.ds(k * 16, 16)] = jnp.zeros((16,), jnp.float32)
            return 0
        return lax.fori_loop(0, D // 16, zcol, 0)
    lax.fori_loop(0, K, zrow, 0)

    row0 = s * ROWS_PER_TILE
    for t in range(ROWS_PER_TILE // K):
        pltpu.sync_copy(rows_v, acc.at[pl.ds(row0 + t * K, K)])
    plsc.subcore_barrier()

    base = wid * EPW

    def body(i, _):
        off = pl.multiple_of(base + i * K, 8)
        pltpu.sync_copy(src_hbm.at[pl.ds(off, K)], src_v)
        pltpu.sync_copy(dst_hbm.at[pl.ds(off, K)], dst_v)
        pltpu.async_copy(z_hbm.at[src_v], rows_v, sem).wait()
        pltpu.sync_copy(rows_v, acc.at[dst_v], add=True)
        return 0
    lax.fori_loop(0, NCHUNK, body, 0)

    plsc.subcore_barrier()
    pltpu.sync_copy(acc.at[pl.ds(row0, ROWS_PER_TILE)],
                    out_hbm.at[c, pl.ds(row0, ROWS_PER_TILE)])



def _z1_body(x_ref, w_ref, degp_ref, z_ref):
    deg = jnp.sum(degp_ref[...], axis=0) + 1.0
    dinv = lax.rsqrt(deg)
    ht = jnp.dot(x_ref[...], w_ref[...], preferred_element_type=jnp.float32)
    z_ref[...] = ht * dinv[:, None]


def _h1z2_body(p_ref, z1_ref, degp_ref, b1_ref, gamma_ref, beta_ref, w2_ref, z2_ref):
    deg = jnp.sum(degp_ref[...], axis=0) + 1.0
    dinv = lax.rsqrt(deg)
    agg = (p_ref[0] + p_ref[1] + z1_ref[...]) * dinv[:, None] + b1_ref[...]
    h = agg * (gamma_ref[...] * (1.0 / np.sqrt(1.0 + EPS))) + beta_ref[...]
    h = jnp.maximum(h, 0.0)
    ht2 = jnp.dot(h, w2_ref[...], preferred_element_type=jnp.float32)
    z2_ref[...] = ht2 * dinv[:, None]


def _final_body(p_ref, z2_ref, degp_ref, b2_ref, batch_ref, rst_ref,
                wg_ref, bg_ref, wr_ref, br_ref, wc_ref, bc_ref,
                out_ref, psum, pcnt):
    i = pl.program_id(0)

    @pl.when(i == 0)
    def _():
        psum[...] = jnp.zeros_like(psum)
        pcnt[...] = jnp.zeros_like(pcnt)

    deg = jnp.sum(degp_ref[...], axis=0) + 1.0
    dinv = lax.rsqrt(deg)
    h2 = (p_ref[0] + p_ref[1] + z2_ref[...]) * dinv[:, None] + b2_ref[...]
    b = batch_ref[0, 0]
    gids = lax.broadcasted_iota(jnp.int32, (G, NB), 0)
    mask = (gids == jnp.broadcast_to(b[None, :], (G, NB))).astype(jnp.float32)
    psum[...] += jnp.dot(mask, h2, preferred_element_type=jnp.float32)
    pcnt[...] += jnp.broadcast_to(jnp.sum(mask, axis=1)[:, None], (G, H))

    @pl.when(i == pl.num_programs(0) - 1)
    def _():
        pooled = psum[...] / jnp.maximum(pcnt[...], 1.0)
        xg = jnp.maximum(
            jnp.dot(pooled, wg_ref[...], preferred_element_type=jnp.float32)
            + bg_ref[...], 0.0)
        xr = jnp.maximum(
            jnp.dot(rst_ref[...], wr_ref[...], preferred_element_type=jnp.float32)
            + br_ref[...], 0.0)
        comb = jnp.concatenate([xg, xr], axis=1)
        out_ref[...] = (jnp.dot(comb, wc_ref[...],
                                preferred_element_type=jnp.float32)
                        + bc_ref[...])


def _row_spec():
    return pl.BlockSpec((NB, D), lambda i: (i, 0))


def _full_spec(shape):
    nd = len(shape)
    return pl.BlockSpec(shape, lambda i: (0,) * nd)


def kernel(x, edge_index, batch, rst, W1, b1, gamma, beta, W2, b2, Wg, bg, Wr, br, Wc, bc):
    f32 = jnp.float32
    x_pad = jnp.concatenate([x, jnp.zeros((NP_ - N, D), f32)], axis=0)
    fill = jnp.full((EPAD - E,), N, jnp.int32)
    src = jnp.concatenate([edge_index[0], fill])
    dst = jnp.concatenate([edge_index[1], fill])
    batch_pad = jnp.concatenate([batch, jnp.full((NP_ - N,), G, jnp.int32)])
    batch3d = batch_pad.reshape(NBLK, 1, NB)
    b1r, gr, br_ = b1.reshape(1, H), gamma.reshape(1, H), beta.reshape(1, H)
    b2r = b2.reshape(1, H)
    bgr, brr = bg.reshape(1, H // 2), br.reshape(1, H // 2)
    wc_pad = jnp.concatenate([Wc, jnp.zeros((H, 128 - 2), f32)], axis=1)
    bc_pad = jnp.concatenate([bc, jnp.zeros((128 - 2,), f32)]).reshape(1, 128)

    degp = _deg_partials(dst)

    z1 = pl.pallas_call(
        _z1_body,
        grid=(NBLK,),
        in_specs=[
            _row_spec(),
            _full_spec((D, H)),
            pl.BlockSpec((NWORK, NB), lambda i: (0, i)),
        ],
        out_specs=_row_spec(),
        out_shape=jax.ShapeDtypeStruct((NP_, H), f32),
    )(x_pad, W1, degp)

    p1 = _edge_scatter(z1, src, dst)

    z2 = pl.pallas_call(
        _h1z2_body,
        grid=(NBLK,),
        in_specs=[
            pl.BlockSpec((2, NB, H), lambda i: (0, i, 0)),
            _row_spec(),
            pl.BlockSpec((NWORK, NB), lambda i: (0, i)),
            _full_spec((1, H)),
            _full_spec((1, H)),
            _full_spec((1, H)),
            _full_spec((H, H)),
        ],
        out_specs=_row_spec(),
        out_shape=jax.ShapeDtypeStruct((NP_, H), f32),
    )(p1, z1, degp, b1r, gr, br_, W2)

    p2 = _edge_scatter(z2, src, dst)

    out_pad = pl.pallas_call(
        _final_body,
        grid=(NBLK,),
        in_specs=[
            pl.BlockSpec((2, NB, H), lambda i: (0, i, 0)),
            _row_spec(),
            pl.BlockSpec((NWORK, NB), lambda i: (0, i)),
            _full_spec((1, H)),
            pl.BlockSpec((1, 1, NB), lambda i: (i, 0, 0)),
            _full_spec((G, R)),
            _full_spec((H, H // 2)),
            _full_spec((1, H // 2)),
            _full_spec((R, H // 2)),
            _full_spec((1, H // 2)),
            _full_spec((H, 128)),
            _full_spec((1, 128)),
        ],
        out_specs=_full_spec((G, 128)),
        out_shape=jax.ShapeDtypeStruct((G, 128), f32),
        scratch_shapes=[
            pltpu.VMEM((G, H), f32),
            pltpu.VMEM((G, H), f32),
        ],
    )(p2, z2, degp, b2r, batch3d, rst, Wg, bgr, Wr, brr, wc_pad, bc_pad)

    return out_pad[:, :2]

# --- scband reference (transcript-rebuilt; emitter-appended) ---
"""Pipeline reference for scband-hpnf-rst-82506321756622 (READ-ONLY COPY).

The authoritative reference and input builder live on the scoring server;
editing this copy changes nothing except your own understanding.
"""

import jax, jax.numpy as jnp
import numpy as np

N = 10000
E = 320000
D = 128
H = 128
R = 64
G = 64
EPS = 1e-5


def setup_inputs(seed: int = 0) -> dict:
    key = jax.random.key(seed)
    ks = jax.random.split(key, 16)
    x = jax.random.normal(ks[0], (N, D), dtype=jnp.float32)
    edge_index = jax.random.randint(ks[1], (2, E), 0, N, dtype=jnp.int32)
    batch = jnp.sort(jax.random.randint(ks[2], (N,), 0, G, dtype=jnp.int32))
    rst = jax.random.normal(ks[3], (G, R), dtype=jnp.float32)
    # GCNConv weights (glorot-ish scale)
    W1 = jax.random.normal(ks[4], (D, H), dtype=jnp.float32) / np.sqrt(D)
    b1 = jnp.zeros((H,), dtype=jnp.float32)
    gamma = jnp.ones((H,), dtype=jnp.float32)
    beta = jnp.zeros((H,), dtype=jnp.float32)
    W2 = jax.random.normal(ks[5], (H, H), dtype=jnp.float32) / np.sqrt(H)
    b2 = jnp.zeros((H,), dtype=jnp.float32)
    Wg = jax.random.normal(ks[6], (H, H // 2), dtype=jnp.float32) / np.sqrt(H)
    bg = jnp.zeros((H // 2,), dtype=jnp.float32)
    Wr = jax.random.normal(ks[7], (R, H // 2), dtype=jnp.float32) / np.sqrt(R)
    br = jnp.zeros((H // 2,), dtype=jnp.float32)
    Wc = jax.random.normal(ks[8], (H, 2), dtype=jnp.float32) / np.sqrt(H)
    bc = jnp.zeros((2,), dtype=jnp.float32)
    return {"x": x, "edge_index": edge_index, "batch": batch, "rst": rst,
            "W1": W1, "b1": b1, "gamma": gamma, "beta": beta,
            "W2": W2, "b2": b2, "Wg": Wg, "bg": bg,
            "Wr": Wr, "br": br, "Wc": Wc, "bc": bc}


def _gcn_conv(h, edge_index, W, b):
    # PyG GCNConv: add self-loops, symmetric normalization, linear transform, scatter-add
    num_nodes = h.shape[0]
    loop = jnp.arange(num_nodes, dtype=edge_index.dtype)
    src = jnp.concatenate([edge_index[0], loop])
    dst = jnp.concatenate([edge_index[1], loop])
    deg = jnp.zeros((num_nodes,), dtype=h.dtype).at[dst].add(1.0)
    dinv = jnp.where(deg > 0, 1.0 / jnp.sqrt(jnp.clip(deg, 1.0)), 0.0)
    norm = dinv[src] * dinv[dst]
    ht = h @ W
    msg = ht[src] * norm[:, None]
    out = jnp.zeros_like(ht).at[dst].add(msg)
    return out + b


def reference(x, edge_index, batch, rst, W1, b1, gamma, beta, W2, b2, Wg, bg, Wr, br, Wc, bc):
    h = _gcn_conv(x, edge_index, W1, b1)
    # BatchNorm1d in eval mode: running_mean=0, running_var=1
    h = (h / jnp.sqrt(1.0 + EPS)) * gamma + beta
    h = jax.nn.relu(h)
    # dropout is identity in eval mode
    h = _gcn_conv(h, edge_index, W2, b2)
    # global_mean_pool over graphs
    sums = jax.ops.segment_sum(h, batch, num_segments=G)
    counts = jax.ops.segment_sum(jnp.ones((h.shape[0],), dtype=h.dtype), batch, num_segments=G)
    pooled = sums / jnp.clip(counts, 1.0)[:, None]
    x_graph = jax.nn.relu(pooled @ Wg + bg)
    x_rst = jax.nn.relu(rst @ Wr + br)
    x_combined = jnp.concatenate([x_graph, x_rst], axis=1)
    out = x_combined @ Wc + bc
    return out

if __name__ == "__main__":
    import jax
    _d = setup_inputs()
    print(jax.jit(kernel)(*tuple(_d.values())))

</pallas_src>

<mosaic_0001>
#map = affine_map<(d0, d1) -> (0, 0)>
#map1 = affine_map<(d0, d1) -> (0)>
#map2 = affine_map<(d0, d1) -> (0, 0, 0)>
module attributes {stable_mosaic.version = 14 : i64} {
  func.func @_edge_scatter(%arg0: i32, %arg1: i32, %arg2: memref<10240x128xf32, #tpu.memory_space<hbm>>, %arg3: memref<323584xi32, #tpu.memory_space<hbm>>, %arg4: memref<323584xi32, #tpu.memory_space<hbm>>, %arg5: memref<2x10240x128xf32, #tpu.memory_space<hbm>>, %arg6: memref<128xi32, #tpu.memory_space<vmem>>, %arg7: memref<128xi32, #tpu.memory_space<vmem>>, %arg8: memref<128x128xf32, #tpu.memory_space<vmem>>, %arg9: memref<10240x128xf32, #tpu.memory_space<vmem_shared>>, %arg10: memref<!tpu.dma_semaphore, #tpu.memory_space<semaphore_mem>>) attributes {dimension_semantics = [#tpu.dimension_semantics<core_parallel>, #tpu.dimension_semantics<subcore_parallel>], iteration_bounds = array<i64: 2, 16>, scalar_prefetch = 0 : i64, scratch_operands = 5 : i64, tpu.core_type = #tpu.core_type<sc_vector_subcore>, window_params = [{transform_indices = #map}, {transform_indices = #map1}, {transform_indices = #map1}, {transform_indices = #map2}]} {
    %mul3A = arith.constant 2 : i32
    %mul3A_0 = arith.muli %arg1, %mul3A : i32
    %add3A = arith.addi %mul3A_0, %arg0 : i32
    %scan3A = arith.constant 0 : i32
    %scan3A_1 = arith.constant 0 : i32
    %scan3A_2 = arith.constant 128 : i32
    %scan3A_3 = arith.addi %scan3A_1, %scan3A_2 : i32
    %scan3A_4 = arith.constant 1 : i32
    %scan3A_5 = scf.for %scan3A_29 = %scan3A_1 to %scan3A_3 step %scan3A_4 iter_args(%scan3A_30 = %scan3A) -> (i32)  : i32 {
      %scan3A_31 = arith.constant 0 : i32
      %scan3A_32 = arith.constant 0 : i32
      %scan3A_33 = arith.constant 8 : i32
      %scan3A_34 = arith.addi %scan3A_32, %scan3A_33 : i32
      %scan3A_35 = arith.constant 1 : i32
      %scan3A_36 = scf.for %scan3A_38 = %scan3A_32 to %scan3A_34 step %scan3A_35 iter_args(%scan3A_39 = %scan3A_31) -> (i32)  : i32 {
        %broadcast_in_dim3A = arith.constant 0.000000e+00 : f32
        %broadcast_in_dim3A_40 = vector.broadcast %broadcast_in_dim3A : f32 to vector<16xf32>
        %mul3A_41 = arith.constant 16 : i32
        %mul3A_42 = arith.muli %scan3A_38, %mul3A_41 : i32
        %swap3A = arith.index_cast %scan3A_29 : i32 to index
        %swap3A_43 = arith.index_cast %mul3A_42 : i32 to index
        %swap3A_44 = tpu.vector_load %arg8[%swap3A, %swap3A_43] {strides = array<i32>} : memref<128x128xf32, #tpu.memory_space<vmem>>, vector<1x16xf32>,
        %swap3A_45 = vector.shape_cast %swap3A_44 : vector<1x16xf32> to vector<16xf32>
        %swap3A_46 = vector.shape_cast %broadcast_in_dim3A_40 : vector<16xf32> to vector<1x16xf32>
        tpu.vector_store %arg8[%swap3A, %swap3A_43], %swap3A_46 {strides = array<i32>} : memref<128x128xf32, #tpu.memory_space<vmem>>, vector<1x16xf32>,
        %scan3A_47 = arith.constant 0 : i32
        scf.yield %scan3A_47 : i32
      }
      %scan3A_37 = arith.constant 8 : i32
      scf.yield %scan3A_36 : i32
    }
    %scan3A_6 = arith.constant 128 : i32
    %mul3A_7 = arith.constant 640 : i32
    %mul3A_8 = arith.muli %arg1, %mul3A_7 : i32
    %add3A_9 = arith.constant 0 : i32
    %add3A_10 = arith.addi %mul3A_8, %add3A_9 : i32
    "tpu.region"() ({
      %run_scoped3A = tpu.sem_alloc : memref<!tpu.dma_semaphore, #tpu.memory_space<semaphore_mem>>
      %dma_start3A = arith.constant 0 : i32
      %dma_start3A_29 = tpu.memref_slice %arg9[%add3A_10, %dma_start3A] : memref<10240x128xf32, #tpu.memory_space<vmem_shared>> -> memref<128x128xf32, #tpu.memory_space<vmem_shared>>
      %dma_start3A_30 = arith.constant 0 : i32
      %dma_start3A_31 = tpu.memref_slice %arg9[%add3A_10, %dma_start3A_30] : memref<10240x128xf32, #tpu.memory_space<vmem_shared>> -> memref<128x128xf32, #tpu.memory_space<vmem_shared>>
      tpu.enqueue_dma source(%arg8 : memref<128x128xf32, #tpu.memory_space<vmem>>) target(%dma_start3A_31 : memref<128x128xf32, #tpu.memory_space<vmem_shared>>) target_semaphore(%run_scoped3A : memref<!tpu.dma_semaphore, #tpu.memory_space<semaphore_mem>>)
      %dma_wait3A = arith.constant 0 : i32
      %dma_wait3A_32 = tpu.memref_slice %arg9[%add3A_10, %dma_wait3A] : memref<10240x128xf32, #tpu.memory_space<vmem_shared>> -> memref<128x128xf32, #tpu.memory_space<vmem_shared>>
      %dma_wait3A_33 = arith.constant 0 : i32
      %dma_wait3A_34 = tpu.memref_slice %arg9[%add3A_10, %dma_wait3A_33] : memref<10240x128xf32, #tpu.memory_space<vmem_shared>> -> memref<128x128xf32, #tpu.memory_space<vmem_shared>>
      tpu.wait_dma2 semaphore(%run_scoped3A : memref<!tpu.dma_semaphore, #tpu.memory_space<semaphore_mem>>) src(%arg8 : memref<128x128xf32, #tpu.memory_space<vmem>>) dst(%dma_wait3A_34 : memref<128x128xf32, #tpu.memory_space<vmem_shared>>)
      tpu.yield
    }) : () -> ()
    %add3A_11 = arith.constant 128 : i32
    %add3A_12 = arith.addi %mul3A_8, %add3A_11 : i32
    "tpu.region"() ({
      %run_scoped3A = tpu.sem_alloc : memref<!tpu.dma_semaphore, #tpu.memory_space<semaphore_mem>>
      %dma_start3A = arith.constant 0 : i32
      %dma_start3A_29 = tpu.memref_slice %arg9[%add3A_12, %dma_start3A] : memref<10240x128xf32, #tpu.memory_space<vmem_shared>> -> memref<128x128xf32, #tpu.memory_space<vmem_shared>>
      %dma_start3A_30 = arith.constant 0 : i32
      %dma_start3A_31 = tpu.memref_slice %arg9[%add3A_12, %dma_start3A_30] : memref<10240x128xf32, #tpu.memory_space<vmem_shared>> -> memref<128x128xf32, #tpu.memory_space<vmem_shared>>
      tpu.enqueue_dma source(%arg8 : memref<128x128xf32, #tpu.memory_space<vmem>>) target(%dma_start3A_31 : memref<128x128xf32, #tpu.memory_space<vmem_shared>>) target_semaphore(%run_scoped3A : memref<!tpu.dma_semaphore, #tpu.memory_space<semaphore_mem>>)
      %dma_wait3A = arith.constant 0 : i32
      %dma_wait3A_32 = tpu.memref_slice %arg9[%add3A_12, %dma_wait3A] : memref<10240x128xf32, #tpu.memory_space<vmem_shared>> -> memref<128x128xf32, #tpu.memory_space<vmem_shared>>
      %dma_wait3A_33 = arith.constant 0 : i32
      %dma_wait3A_34 = tpu.memref_slice %arg9[%add3A_12, %dma_wait3A_33] : memref<10240x128xf32, #tpu.memory_space<vmem_shared>> -> memref<128x128xf32, #tpu.memory_space<vmem_shared>>
      tpu.wait_dma2 semaphore(%run_scoped3A : memref<!tpu.dma_semaphore, #tpu.memory_space<semaphore_mem>>) src(%arg8 : memref<128x128xf32, #tpu.memory_space<vmem>>) dst(%dma_wait3A_34 : memref<128x128xf32, #tpu.memory_space<vmem_shared>>)
      tpu.yield
    }) : () -> ()
    %add3A_13 = arith.constant 256 : i32
    %add3A_14 = arith.addi %mul3A_8, %add3A_13 : i32
    "tpu.region"() ({
      %run_scoped3A = tpu.sem_alloc : memref<!tpu.dma_semaphore, #tpu.memory_space<semaphore_mem>>
      %dma_start3A = arith.constant 0 : i32
      %dma_start3A_29 = tpu.memref_slice %arg9[%add3A_14, %dma_start3A] : memref<10240x128xf32, #tpu.memory_space<vmem_shared>> -> memref<128x128xf32, #tpu.memory_space<vmem_shared>>
      %dma_start3A_30 = arith.constant 0 : i32
      %dma_start3A_31 = tpu.memref_slice %arg9[%add3A_14, %dma_start3A_30] : memref<10240x128xf32, #tpu.memory_space<vmem_shared>> -> memref<128x128xf32, #tpu.memory_space<vmem_shared>>
      tpu.enqueue_dma source(%arg8 : memref<128x128xf32, #tpu.memory_space<vmem>>) target(%dma_start3A_31 : memref<128x128xf32, #tpu.memory_space<vmem_shared>>) target_semaphore(%run_scoped3A : memref<!tpu.dma_semaphore, #tpu.memory_space<semaphore_mem>>)
      %dma_wait3A = arith.constant 0 : i32
      %dma_wait3A_32 = tpu.memref_slice %arg9[%add3A_14, %dma_wait3A] : memref<10240x128xf32, #tpu.memory_space<vmem_shared>> -> memref<128x128xf32, #tpu.memory_space<vmem_shared>>
      %dma_wait3A_33 = arith.constant 0 : i32
      %dma_wait3A_34 = tpu.memref_slice %arg9[%add3A_14, %dma_wait3A_33] : memref<10240x128xf32, #tpu.memory_space<vmem_shared>> -> memref<128x128xf32, #tpu.memory_space<vmem_shared>>
      tpu.wait_dma2 semaphore(%run_scoped3A : memref<!tpu.dma_semaphore, #tpu.memory_space<semaphore_mem>>) src(%arg8 : memref<128x128xf32, #tpu.memory_space<vmem>>) dst(%dma_wait3A_34 : memref<128x128xf32, #tpu.memory_space<vmem_shared>>)
      tpu.yield
    }) : () -> ()
    %add3A_15 = arith.constant 384 : i32
    %add3A_16 = arith.addi %mul3A_8, %add3A_15 : i32
    "tpu.region"() ({
      %run_scoped3A = tpu.sem_alloc : memref<!tpu.dma_semaphore, #tpu.memory_space<semaphore_mem>>
      %dma_start3A = arith.constant 0 : i32
      %dma_start3A_29 = tpu.memref_slice %arg9[%add3A_16, %dma_start3A] : memref<10240x128xf32, #tpu.memory_space<vmem_shared>> -> memref<128x128xf32, #tpu.memory_space<vmem_shared>>
      %dma_start3A_30 = arith.constant 0 : i32
      %dma_start3A_31 = tpu.memref_slice %arg9[%add3A_16, %dma_start3A_30] : memref<10240x128xf32, #tpu.memory_space<vmem_shared>> -> memref<128x128xf32, #tpu.memory_space<vmem_shared>>
      tpu.enqueue_dma source(%arg8 : memref<128x128xf32, #tpu.memory_space<vmem>>) target(%dma_start3A_31 : memref<128x128xf32, #tpu.memory_space<vmem_shared>>) target_semaphore(%run_scoped3A : memref<!tpu.dma_semaphore, #tpu.memory_space<semaphore_mem>>)
      %dma_wait3A = arith.constant 0 : i32
      %dma_wait3A_32 = tpu.memref_slice %arg9[%add3A_16, %dma_wait3A] : memref<10240x128xf32, #tpu.memory_space<vmem_shared>> -> memref<128x128xf32, #tpu.memory_space<vmem_shared>>
      %dma_wait3A_33 = arith.constant 0 : i32
      %dma_wait3A_34 = tpu.memref_slice %arg9[%add3A_16, %dma_wait3A_33] : memref<10240x128xf32, #tpu.memory_space<vmem_shared>> -> memref<128x128xf32, #tpu.memory_space<vmem_shared>>
      tpu.wait_dma2 semaphore(%run_scoped3A : memref<!tpu.dma_semaphore, #tpu.memory_space<semaphore_mem>>) src(%arg8 : memref<128x128xf32, #tpu.memory_space<vmem>>) dst(%dma_wait3A_34 : memref<128x128xf32, #tpu.memory_space<vmem_shared>>)
      tpu.yield
    }) : () -> ()
    %add3A_17 = arith.constant 512 : i32
    %add3A_18 = arith.addi %mul3A_8, %add3A_17 : i32
    "tpu.region"() ({
      %run_scoped3A = tpu.sem_alloc : memref<!tpu.dma_semaphore, #tpu.memory_space<semaphore_mem>>
      %dma_start3A = arith.constant 0 : i32
      %dma_start3A_29 = tpu.memref_slice %arg9[%add3A_18, %dma_start3A] : memref<10240x128xf32, #tpu.memory_space<vmem_shared>> -> memref<128x128xf32, #tpu.memory_space<vmem_shared>>
      %dma_start3A_30 = arith.constant 0 : i32
      %dma_start3A_31 = tpu.memref_slice %arg9[%add3A_18, %dma_start3A_30] : memref<10240x128xf32, #tpu.memory_space<vmem_shared>> -> memref<128x128xf32, #tpu.memory_space<vmem_shared>>
      tpu.enqueue_dma source(%arg8 : memref<128x128xf32, #tpu.memory_space<vmem>>) target(%dma_start3A_31 : memref<128x128xf32, #tpu.memory_space<vmem_shared>>) target_semaphore(%run_scoped3A : memref<!tpu.dma_semaphore, #tpu.memory_space<semaphore_mem>>)
      %dma_wait3A = arith.constant 0 : i32
      %dma_wait3A_32 = tpu.memref_slice %arg9[%add3A_18, %dma_wait3A] : memref<10240x128xf32, #tpu.memory_space<vmem_shared>> -> memref<128x128xf32, #tpu.memory_space<vmem_shared>>
      %dma_wait3A_33 = arith.constant 0 : i32
      %dma_wait3A_34 = tpu.memref_slice %arg9[%add3A_18, %dma_wait3A_33] : memref<10240x128xf32, #tpu.memory_space<vmem_shared>> -> memref<128x128xf32, #tpu.memory_space<vmem_shared>>
      tpu.wait_dma2 semaphore(%run_scoped3A : memref<!tpu.dma_semaphore, #tpu.memory_space<semaphore_mem>>) src(%arg8 : memref<128x128xf32, #tpu.memory_space<vmem>>) dst(%dma_wait3A_34 : memref<128x128xf32, #tpu.memory_space<vmem_shared>>)
      tpu.yield
    }) : () -> ()
    %barrier3A = arith.constant 0 : index
    tpu.barrier barrier_id(%barrier3A)
    %mul3A_19 = arith.constant 10112 : i32
    %mul3A_20 = arith.muli %add3A, %mul3A_19 : i32
    %scan3A_21 = arith.constant 0 : i32
    %scan3A_22 = arith.constant 0 : i32
    %scan3A_23 = arith.constant 79 : i32
    %scan3A_24 = arith.addi %scan3A_22, %scan3A_23 : i32
    %scan3A_25 = arith.constant 1 : i32
    %scan3A_26 = scf.for %scan3A_29 = %scan3A_22 to %scan3A_24 step %scan3A_25 iter_args(%scan3A_30 = %scan3A_21) -> (i32)  : i32 {
      %mul3A_31 = arith.constant 128 : i32
      %mul3A_32 = arith.muli %scan3A_29, %mul3A_31 : i32
      %add3A_33 = arith.addi %mul3A_20, %mul3A_32 : i32
      %multiple_of3A = tpu.assume_multiple %add3A_33, 8 : i32
      "tpu.region"() ({
        %run_scoped3A = tpu.sem_alloc : memref<!tpu.dma_semaphore, #tpu.memory_space<semaphore_mem>>
        %dma_start3A_39 = tpu.memref_slice %arg3[%multiple_of3A] : memref<323584xi32, #tpu.memory_space<hbm>> -> memref<128xi32, #tpu.memory_space<hbm>>
        %dma_start3A_40 = tpu.memref_slice %arg3[%multiple_of3A] : memref<323584xi32, #tpu.memory_space<hbm>> -> memref<128xi32, #tpu.memory_space<hbm>>
        tpu.enqueue_dma source(%dma_start3A_40 : memref<128xi32, #tpu.memory_space<hbm>>) target(%arg6 : memref<128xi32, #tpu.memory_space<vmem>>) target_semaphore(%run_scoped3A : memref<!tpu.dma_semaphore, #tpu.memory_space<semaphore_mem>>)
        %dma_wait3A_41 = tpu.memref_slice %arg3[%multiple_of3A] : memref<323584xi32, #tpu.memory_space<hbm>> -> memref<128xi32, #tpu.memory_space<hbm>>
        %dma_wait3A_42 = tpu.memref_slice %arg3[%multiple_of3A] : memref<323584xi32, #tpu.memory_space<hbm>> -> memref<128xi32, #tpu.memory_space<hbm>>
        tpu.wait_dma2 semaphore(%run_scoped3A : memref<!tpu.dma_semaphore, #tpu.memory_space<semaphore_mem>>) src(%dma_wait3A_42 : memref<128xi32, #tpu.memory_space<hbm>>) dst(%arg6 : memref<128xi32, #tpu.memory_space<vmem>>)
        tpu.yield
      }) : () -> ()
      "tpu.region"() ({
        %run_scoped3A = tpu.sem_alloc : memref<!tpu.dma_semaphore, #tpu.memory_space<semaphore_mem>>
        %dma_start3A_39 = tpu.memref_slice %arg4[%multiple_of3A] : memref<323584xi32, #tpu.memory_space<hbm>> -> memref<128xi32, #tpu.memory_space<hbm>>
        %dma_start3A_40 = tpu.memref_slice %arg4[%multiple_of3A] : memref<323584xi32, #tpu.memory_space<hbm>> -> memref<128xi32, #tpu.memory_space<hbm>>
        tpu.enqueue_dma source(%dma_start3A_40 : memref<128xi32, #tpu.memory_space<hbm>>) target(%arg7 : memref<128xi32, #tpu.memory_space<vmem>>) target_semaphore(%run_scoped3A : memref<!tpu.dma_semaphore, #tpu.memory_space<semaphore_mem>>)
        %dma_wait3A_41 = tpu.memref_slice %arg4[%multiple_of3A] : memref<323584xi32, #tpu.memory_space<hbm>> -> memref<128xi32, #tpu.memory_space<hbm>>
        %dma_wait3A_42 = tpu.memref_slice %arg4[%multiple_of3A] : memref<323584xi32, #tpu.memory_space<hbm>> -> memref<128xi32, #tpu.memory_space<hbm>>
        tpu.wait_dma2 semaphore(%run_scoped3A : memref<!tpu.dma_semaphore, #tpu.memory_space<semaphore_mem>>) src(%dma_wait3A_42 : memref<128xi32, #tpu.memory_space<hbm>>) dst(%arg7 : memref<128xi32, #tpu.memory_space<vmem>>)
        tpu.yield
      }) : () -> ()
      %dma_start3A = arith.constant 0 : i32
      %dma_start3A_34 = arith.constant 0 : i32
      %dma_start3A_35 = tpu.memref_slice %arg2[%dma_start3A, %dma_start3A_34] : memref<10240x128xf32, #tpu.memory_space<hbm>> -> memref<10240x128xf32, #tpu.memory_space<hbm>>
      tpu.enqueue_indirect_dma source(%dma_start3A_35 : memref<10240x128xf32, #tpu.memory_space<hbm>>) target(%arg8 : memref<128x128xf32, #tpu.memory_space<vmem>>) offsets(%arg6 : memref<128xi32, #tpu.memory_space<vmem>>) semaphore(%arg10 : memref<!tpu.dma_semaphore, #tpu.memory_space<semaphore_mem>>)
      %dma_wait3A = arith.constant 0 : i32
      %dma_wait3A_36 = arith.constant 0 : i32
      %dma_wait3A_37 = tpu.memref_slice %arg2[%dma_wait3A, %dma_wait3A_36] : memref<10240x128xf32, #tpu.memory_space<hbm>> -> memref<10240x128xf32, #tpu.memory_space<hbm>>
      tpu.wait_indirect_dma semaphore(%arg10 : memref<!tpu.dma_semaphore, #tpu.memory_space<semaphore_mem>>) src(%dma_wait3A_37 : memref<10240x128xf32, #tpu.memory_space<hbm>>) dst(%arg8 : memref<128x128xf32, #tpu.memory_space<vmem>>)
      "tpu.region"() ({
        %run_scoped3A = tpu.sem_alloc : memref<!tpu.dma_semaphore, #tpu.memory_space<semaphore_mem>>
        %dma_start3A_39 = arith.constant 0 : i32
        %dma_start3A_40 = arith.constant 0 : i32
        %dma_start3A_41 = tpu.memref_slice %arg9[%dma_start3A_39, %dma_start3A_40] : memref<10240x128xf32, #tpu.memory_space<vmem_shared>> -> memref<10240x128xf32, #tpu.memory_space<vmem_shared>>
        tpu.enqueue_indirect_dma source(%arg8 : memref<128x128xf32, #tpu.memory_space<vmem>>) target(%dma_start3A_41 : memref<10240x128xf32, #tpu.memory_space<vmem_shared>>) offsets(%arg7 : memref<128xi32, #tpu.memory_space<vmem>>) semaphore(%run_scoped3A : memref<!tpu.dma_semaphore, #tpu.memory_space<semaphore_mem>>) {add = true}
        %dma_wait3A_42 = arith.constant 0 : i32
        %dma_wait3A_43 = arith.constant 0 : i32
        %dma_wait3A_44 = tpu.memref_slice %arg9[%dma_wait3A_42, %dma_wait3A_43] : memref<10240x128xf32, #tpu.memory_space<vmem_shared>> -> memref<10240x128xf32, #tpu.memory_space<vmem_shared>>
        tpu.wait_indirect_dma semaphore(%run_scoped3A : memref<!tpu.dma_semaphore, #tpu.memory_space<semaphore_mem>>) src(%arg8 : memref<128x128xf32, #tpu.memory_space<vmem>>) dst(%dma_wait3A_44 : memref<10240x128xf32, #tpu.memory_space<vmem_shared>>)
        tpu.yield
      }) : () -> ()
      %scan3A_38 = arith.constant 0 : i32
      scf.yield %scan3A_38 : i32
    }
    %scan3A_27 = arith.constant 79 : i32
    %barrier3A_28 = arith.constant 0 : index
    tpu.barrier barrier_id(%barrier3A_28)
    "tpu.region"() ({
      %run_scoped3A = tpu.sem_alloc : memref<!tpu.dma_semaphore, #tpu.memory_space<semaphore_mem>>
      %dma_start3A = arith.constant 0 : i32
      %dma_start3A_29 = tpu.memref_slice %arg5[%arg0, %mul3A_8, %dma_start3A] : memref<2x10240x128xf32, #tpu.memory_space<hbm>> -> memref<1x640x128xf32, #tpu.memory_space<hbm>>
      %dma_start3A_30 = tpu.memref_squeeze %dma_start3A_29 : memref<1x640x128xf32, #tpu.memory_space<hbm>> -> memref<640x128xf32, #tpu.memory_space<hbm>>
      %dma_start3A_31 = arith.constant 0 : i32
      %dma_start3A_32 = tpu.memref_slice %arg9[%mul3A_8, %dma_start3A_31] : memref<10240x128xf32, #tpu.memory_space<vmem_shared>> -> memref<640x128xf32, #tpu.memory_space<vmem_shared>>
      tpu.enqueue_dma source(%dma_start3A_32 : memref<640x128xf32, #tpu.memory_space<vmem_shared>>) target(%dma_start3A_30 : memref<640x128xf32, #tpu.memory_space<hbm>>) target_semaphore(%run_scoped3A : memref<!tpu.dma_semaphore, #tpu.memory_space<semaphore_mem>>)
      %dma_wait3A = arith.constant 0 : i32
      %dma_wait3A_33 = tpu.memref_slice %arg5[%arg0, %mul3A_8, %dma_wait3A] : memref<2x10240x128xf32, #tpu.memory_space<hbm>> -> memref<1x640x128xf32, #tpu.memory_space<hbm>>
      %dma_wait3A_34 = tpu.memref_squeeze %dma_wait3A_33 : memref<1x640x128xf32, #tpu.memory_space<hbm>> -> memref<640x128xf32, #tpu.memory_space<hbm>>
      %dma_wait3A_35 = arith.constant 0 : i32
      %dma_wait3A_36 = tpu.memref_slice %arg9[%mul3A_8, %dma_wait3A_35] : memref<10240x128xf32, #tpu.memory_space<vmem_shared>> -> memref<640x128xf32, #tpu.memory_space<vmem_shared>>
      tpu.wait_dma2 semaphore(%run_scoped3A : memref<!tpu.dma_semaphore, #tpu.memory_space<semaphore_mem>>) src(%dma_wait3A_36 : memref<640x128xf32, #tpu.memory_space<vmem_shared>>) dst(%dma_wait3A_34 : memref<640x128xf32, #tpu.memory_space<hbm>>)
      tpu.yield
    }) : () -> ()
    return
  }
}

#map = affine_map<(d0, d1) -> (0)>
#map1 = affine_map<(d0, d1) -> (0, 0)>
module attributes {stable_mosaic.version = 14 : i64} {
  func.func @_deg_partials(%arg0: i32, %arg1: i32, %arg2: memref<323584xi32, #tpu.memory_space<hbm>>, %arg3: memref<32x10240xf32, #tpu.memory_space<hbm>>, %arg4: memref<128xi32, #tpu.memory_space<vmem>>, %arg5: memref<10240xf32, #tpu.memory_space<vmem>>) attributes {dimension_semantics = [#tpu.dimension_semantics<core_parallel>, #tpu.dimension_semantics<subcore_parallel>], iteration_bounds = array<i64: 2, 16>, scalar_prefetch = 0 : i64, scratch_operands = 2 : i64, tpu.core_type = #tpu.core_type<sc_vector_subcore>, window_params = [{transform_indices = #map}, {transform_indices = #map1}]} {
    %mul3A = arith.constant 2 : i32
    %mul3A_0 = arith.muli %arg1, %mul3A : i32
    %add3A = arith.addi %mul3A_0, %arg0 : i32
    %scan3A = arith.constant 0 : i32
    %scan3A_1 = arith.constant 0 : i32
    %scan3A_2 = arith.constant 640 : i32
    %scan3A_3 = arith.addi %scan3A_1, %scan3A_2 : i32
    %scan3A_4 = arith.constant 1 : i32
    %scan3A_5 = scf.for %scan3A_17 = %scan3A_1 to %scan3A_3 step %scan3A_4 iter_args(%scan3A_18 = %scan3A) -> (i32)  : i32 {
      %broadcast_in_dim3A_19 = arith.constant 0.000000e+00 : f32
      %broadcast_in_dim3A_20 = vector.broadcast %broadcast_in_dim3A_19 : f32 to vector<16xf32>
      %mul3A_21 = arith.constant 16 : i32
      %mul3A_22 = arith.muli %scan3A_17, %mul3A_21 : i32
      %swap3A = arith.index_cast %mul3A_22 : i32 to index
      %swap3A_23 = tpu.vector_load %arg5[%swap3A] {strides = array<i32>} : memref<10240xf32, #tpu.memory_space<vmem>>, vector<16xf32>,
      tpu.vector_store %arg5[%swap3A], %broadcast_in_dim3A_20 {strides = array<i32>} : memref<10240xf32, #tpu.memory_space<vmem>>, vector<16xf32>,
      %scan3A_24 = arith.constant 0 : i32
      scf.yield %scan3A_24 : i32
    }
    %scan3A_6 = arith.constant 640 : i32
    %broadcast_in_dim3A = arith.constant 1.000000e+00 : f32
    %broadcast_in_dim3A_7 = vector.broadcast %broadcast_in_dim3A : f32 to vector<16xf32>
    %mul3A_8 = arith.constant 10112 : i32
    %mul3A_9 = arith.muli %add3A, %mul3A_8 : i32
    %scan3A_10 = arith.constant 0 : i32
    %scan3A_11 = arith.constant 0 : i32
    %scan3A_12 = arith.constant 79 : i32
    %scan3A_13 = arith.addi %scan3A_11, %scan3A_12 : i32
    %scan3A_14 = arith.constant 1 : i32
    %scan3A_15 = scf.for %scan3A_17 = %scan3A_11 to %scan3A_13 step %scan3A_14 iter_args(%scan3A_18 = %scan3A_10) -> (i32)  : i32 {
      %mul3A_19 = arith.constant 128 : i32
      %mul3A_20 = arith.muli %scan3A_17, %mul3A_19 : i32
      %add3A_21 = arith.addi %mul3A_9, %mul3A_20 : i32
      %multiple_of3A = tpu.assume_multiple %add3A_21, 8 : i32
      "tpu.region"() ({
        %run_scoped3A = tpu.sem_alloc : memref<!tpu.dma_semaphore, #tpu.memory_space<semaphore_mem>>
        %dma_start3A = tpu.memref_slice %arg2[%multiple_of3A] : memref<323584xi32, #tpu.memory_space<hbm>> -> memref<128xi32, #tpu.memory_space<hbm>>
        %dma_start3A_38 = tpu.memref_slice %arg2[%multiple_of3A] : memref<323584xi32, #tpu.memory_space<hbm>> -> memref<128xi32, #tpu.memory_space<hbm>>
        tpu.enqueue_dma source(%dma_start3A_38 : memref<128xi32, #tpu.memory_space<hbm>>) target(%arg4 : memref<128xi32, #tpu.memory_space<vmem>>) target_semaphore(%run_scoped3A : memref<!tpu.dma_semaphore, #tpu.memory_space<semaphore_mem>>)
        %dma_wait3A = tpu.memref_slice %arg2[%multiple_of3A] : memref<323584xi32, #tpu.memory_space<hbm>> -> memref<128xi32, #tpu.memory_space<hbm>>
        %dma_wait3A_39 = tpu.memref_slice %arg2[%multiple_of3A] : memref<323584xi32, #tpu.memory_space<hbm>> -> memref<128xi32, #tpu.memory_space<hbm>>
        tpu.wait_dma2 semaphore(%run_scoped3A : memref<!tpu.dma_semaphore, #tpu.memory_space<semaphore_mem>>) src(%dma_wait3A_39 : memref<128xi32, #tpu.memory_space<hbm>>) dst(%arg4 : memref<128xi32, #tpu.memory_space<vmem>>)
        tpu.yield
      }) : () -> ()
      %get3A = arith.constant 0 : index
      %get3A_22 = tpu.vector_load %arg4[%get3A] {strides = array<i32>} : memref<128xi32, #tpu.memory_space<vmem>>, vector<16xi32>,
      tpu.vector_store_idx %arg5[%get3A_22], %broadcast_in_dim3A_7 {add = true} : memref<10240xf32, #tpu.memory_space<vmem>>[vector<16xi32>], vector<16xf32>,
      %get3A_23 = arith.constant 16 : index
      %get3A_24 = tpu.vector_load %arg4[%get3A_23] {strides = array<i32>} : memref<128xi32, #tpu.memory_space<vmem>>, vector<16xi32>,
      tpu.vector_store_idx %arg5[%get3A_24], %broadcast_in_dim3A_7 {add = true} : memref<10240xf32, #tpu.memory_space<vmem>>[vector<16xi32>], vector<16xf32>,
      %get3A_25 = arith.constant 32 : index
      %get3A_26 = tpu.vector_load %arg4[%get3A_25] {strides = array<i32>} : memref<128xi32, #tpu.memory_space<vmem>>, vector<16xi32>,
      tpu.vector_store_idx %arg5[%get3A_26], %broadcast_in_dim3A_7 {add = true} : memref<10240xf32, #tpu.memory_space<vmem>>[vector<16xi32>], vector<16xf32>,
      %get3A_27 = arith.constant 48 : index
      %get3A_28 = tpu.vector_load %arg4[%get3A_27] {strides = array<i32>} : memref<128xi32, #tpu.memory_space<vmem>>, vector<16xi32>,
      tpu.vector_store_idx %arg5[%get3A_28], %broadcast_in_dim3A_7 {add = true} : memref<10240xf32, #tpu.memory_space<vmem>>[vector<16xi32>], vector<16xf32>,
      %get3A_29 = arith.constant 64 : index
      %get3A_30 = tpu.vector_load %arg4[%get3A_29] {strides = array<i32>} : memref<128xi32, #tpu.memory_space<vmem>>, vector<16xi32>,
      tpu.vector_store_idx %arg5[%get3A_30], %broadcast_in_dim3A_7 {add = true} : memref<10240xf32, #tpu.memory_space<vmem>>[vector<16xi32>], vector<16xf32>,
      %get3A_31 = arith.constant 80 : index
      %get3A_32 = tpu.vector_load %arg4[%get3A_31] {strides = array<i32>} : memref<128xi32, #tpu.memory_space<vmem>>, vector<16xi32>,
      tpu.vector_store_idx %arg5[%get3A_32], %broadcast_in_dim3A_7 {add = true} : memref<10240xf32, #tpu.memory_space<vmem>>[vector<16xi32>], vector<16xf32>,
      %get3A_33 = arith.constant 96 : index
      %get3A_34 = tpu.vector_load %arg4[%get3A_33] {strides = array<i32>} : memref<128xi32, #tpu.memory_space<vmem>>, vector<16xi32>,
      tpu.vector_store_idx %arg5[%get3A_34], %broadcast_in_dim3A_7 {add = true} : memref<10240xf32, #tpu.memory_space<vmem>>[vector<16xi32>], vector<16xf32>,
      %get3A_35 = arith.constant 112 : index
      %get3A_36 = tpu.vector_load %arg4[%get3A_35] {strides = array<i32>} : memref<128xi32, #tpu.memory_space<vmem>>, vector<16xi32>,
      tpu.vector_store_idx %arg5[%get3A_36], %broadcast_in_dim3A_7 {add = true} : memref<10240xf32, #tpu.memory_space<vmem>>[vector<16xi32>], vector<16xf32>,
      %scan3A_37 = arith.constant 0 : i32
      scf.yield %scan3A_37 : i32
    }
    %scan3A_16 = arith.constant 79 : i32
    "tpu.region"() ({
      %run_scoped3A = tpu.sem_alloc : memref<!tpu.dma_semaphore, #tpu.memory_space<semaphore_mem>>
      %dma_start3A = arith.constant 0 : i32
      %dma_start3A_17 = tpu.memref_slice %arg3[%add3A, %dma_start3A] : memref<32x10240xf32, #tpu.memory_space<hbm>> -> memref<1x10240xf32, #tpu.memory_space<hbm>>
      %dma_start3A_18 = tpu.memref_squeeze %dma_start3A_17 : memref<1x10240xf32, #tpu.memory_space<hbm>> -> memref<10240xf32, #tpu.memory_space<hbm>>
      %dma_start3A_19 = arith.constant 0 : i32
      %dma_start3A_20 = tpu.memref_slice %arg3[%add3A, %dma_start3A_19] : memref<32x10240xf32, #tpu.memory_space<hbm>> -> memref<1x10240xf32, #tpu.memory_space<hbm>>
      %dma_start3A_21 = tpu.memref_squeeze %dma_start3A_20 : memref<1x10240xf32, #tpu.memory_space<hbm>> -> memref<10240xf32, #tpu.memory_space<hbm>>
      tpu.enqueue_dma source(%arg5 : memref<10240xf32, #tpu.memory_space<vmem>>) target(%dma_start3A_21 : memref<10240xf32, #tpu.memory_space<hbm>>) target_semaphore(%run_scoped3A : memref<!tpu.dma_semaphore, #tpu.memory_space<semaphore_mem>>)
      %dma_wait3A = arith.constant 0 : i32
      %dma_wait3A_22 = tpu.memref_slice %arg3[%add3A, %dma_wait3A] : memref<32x10240xf32, #tpu.memory_space<hbm>> -> memref<1x10240xf32, #tpu.memory_space<hbm>>
      %dma_wait3A_23 = tpu.memref_squeeze %dma_wait3A_22 : memref<1x10240xf32, #tpu.memory_space<hbm>> -> memref<10240xf32, #tpu.memory_space<hbm>>
      %dma_wait3A_24 = arith.constant 0 : i32
      %dma_wait3A_25 = tpu.memref_slice %arg3[%add3A, %dma_wait3A_24] : memref<32x10240xf32, #tpu.memory_space<hbm>> -> memref<1x10240xf32, #tpu.memory_space<hbm>>
      %dma_wait3A_26 = tpu.memref_squeeze %dma_wait3A_25 : memref<1x10240xf32, #tpu.memory_space<hbm>> -> memref<10240xf32, #tpu.memory_space<hbm>>
      tpu.wait_dma2 semaphore(%run_scoped3A : memref<!tpu.dma_semaphore, #tpu.memory_space<semaphore_mem>>) src(%arg5 : memref<10240xf32, #tpu.memory_space<vmem>>) dst(%dma_wait3A_26 : memref<10240xf32, #tpu.memory_space<hbm>>)
      tpu.yield
    }) : () -> ()
    return
  }
}

#map = affine_map<(d0, d1) -> (0, 0)>
#map1 = affine_map<(d0, d1) -> (0)>
#map2 = affine_map<(d0, d1) -> (0, 0, 0)>
module attributes {stable_mosaic.version = 14 : i64} {
  func.func @_edge_scatter(%arg0: i32, %arg1: i32, %arg2: memref<10240x128xf32, #tpu.memory_space<hbm>>, %arg3: memref<323584xi32, #tpu.memory_space<hbm>>, %arg4: memref<323584xi32, #tpu.memory_space<hbm>>, %arg5: memref<2x10240x128xf32, #tpu.memory_space<hbm>>, %arg6: memref<128xi32, #tpu.memory_space<vmem>>, %arg7: memref<128xi32, #tpu.memory_space<vmem>>, %arg8: memref<128x128xf32, #tpu.memory_space<vmem>>, %arg9: memref<10240x128xf32, #tpu.memory_space<vmem_shared>>, %arg10: memref<!tpu.dma_semaphore, #tpu.memory_space<semaphore_mem>>) attributes {dimension_semantics = [#tpu.dimension_semantics<core_parallel>, #tpu.dimension_semantics<subcore_parallel>], iteration_bounds = array<i64: 2, 16>, scalar_prefetch = 0 : i64, scratch_operands = 5 : i64, tpu.core_type = #tpu.core_type<sc_vector_subcore>, window_params = [{transform_indices = #map}, {transform_indices = #map1}, {transform_indices = #map1}, {transform_indices = #map2}]} {
    %mul3A = arith.constant 2 : i32
    %mul3A_0 = arith.muli %arg1, %mul3A : i32
    %add3A = arith.addi %mul3A_0, %arg0 : i32
    %scan3A = arith.constant 0 : i32
    %scan3A_1 = arith.constant 0 : i32
    %scan3A_2 = arith.constant 128 : i32
    %scan3A_3 = arith.addi %scan3A_1, %scan3A_2 : i32
    %scan3A_4 = arith.constant 1 : i32
    %scan3A_5 = scf.for %scan3A_29 = %scan3A_1 to %scan3A_3 step %scan3A_4 iter_args(%scan3A_30 = %scan3A) -> (i32)  : i32 {
      %scan3A_31 = arith.constant 0 : i32
      %scan3A_32 = arith.constant 0 : i32
      %scan3A_33 = arith.constant 8 : i32
      %scan3A_34 = arith.addi %scan3A_32, %scan3A_33 : i32
      %scan3A_35 = arith.constant 1 : i32
      %scan3A_36 = scf.for %scan3A_38 = %scan3A_32 to %scan3A_34 step %scan3A_35 iter_args(%scan3A_39 = %scan3A_31) -> (i32)  : i32 {
        %broadcast_in_dim3A = arith.constant 0.000000e+00 : f32
        %broadcast_in_dim3A_40 = vector.broadcast %broadcast_in_dim3A : f32 to vector<16xf32>
        %mul3A_41 = arith.constant 16 : i32
        %mul3A_42 = arith.muli %scan3A_38, %mul3A_41 : i32
        %swap3A = arith.index_cast %scan3A_29 : i32 to index
        %swap3A_43 = arith.index_cast %mul3A_42 : i32 to index
        %swap3A_44 = tpu.vector_load %arg8[%swap3A, %swap3A_43] {strides = array<i32>} : memref<128x128xf32, #tpu.memory_space<vmem>>, vector<1x16xf32>,
        %swap3A_45 = vector.shape_cast %swap3A_44 : vector<1x16xf32> to vector<16xf32>
        %swap3A_46 = vector.shape_cast %broadcast_in_dim3A_40 : vector<16xf32> to vector<1x16xf32>
        tpu.vector_store %arg8[%swap3A, %swap3A_43], %swap3A_46 {strides = array<i32>} : memref<128x128xf32, #tpu.memory_space<vmem>>, vector<1x16xf32>,
        %scan3A_47 = arith.constant 0 : i32
        scf.yield %scan3A_47 : i32
      }
      %scan3A_37 = arith.constant 8 : i32
      scf.yield %scan3A_36 : i32
    }
    %scan3A_6 = arith.constant 128 : i32
    %mul3A_7 = arith.constant 640 : i32
    %mul3A_8 = arith.muli %arg1, %mul3A_7 : i32
    %add3A_9 = arith.constant 0 : i32
    %add3A_10 = arith.addi %mul3A_8, %add3A_9 : i32
    "tpu.region"() ({
      %run_scoped3A = tpu.sem_alloc : memref<!tpu.dma_semaphore, #tpu.memory_space<semaphore_mem>>
      %dma_start3A = arith.constant 0 : i32
      %dma_start3A_29 = tpu.memref_slice %arg9[%add3A_10, %dma_start3A] : memref<10240x128xf32, #tpu.memory_space<vmem_shared>> -> memref<128x128xf32, #tpu.memory_space<vmem_shared>>
      %dma_start3A_30 = arith.constant 0 : i32
      %dma_start3A_31 = tpu.memref_slice %arg9[%add3A_10, %dma_start3A_30] : memref<10240x128xf32, #tpu.memory_space<vmem_shared>> -> memref<128x128xf32, #tpu.memory_space<vmem_shared>>
      tpu.enqueue_dma source(%arg8 : memref<128x128xf32, #tpu.memory_space<vmem>>) target(%dma_start3A_31 : memref<128x128xf32, #tpu.memory_space<vmem_shared>>) target_semaphore(%run_scoped3A : memref<!tpu.dma_semaphore, #tpu.memory_space<semaphore_mem>>)
      %dma_wait3A = arith.constant 0 : i32
      %dma_wait3A_32 = tpu.memref_slice %arg9[%add3A_10, %dma_wait3A] : memref<10240x128xf32, #tpu.memory_space<vmem_shared>> -> memref<128x128xf32, #tpu.memory_space<vmem_shared>>
      %dma_wait3A_33 = arith.constant 0 : i32
      %dma_wait3A_34 = tpu.memref_slice %arg9[%add3A_10, %dma_wait3A_33] : memref<10240x128xf32, #tpu.memory_space<vmem_shared>> -> memref<128x128xf32, #tpu.memory_space<vmem_shared>>
      tpu.wait_dma2 semaphore(%run_scoped3A : memref<!tpu.dma_semaphore, #tpu.memory_space<semaphore_mem>>) src(%arg8 : memref<128x128xf32, #tpu.memory_space<vmem>>) dst(%dma_wait3A_34 : memref<128x128xf32, #tpu.memory_space<vmem_shared>>)
      tpu.yield
    }) : () -> ()
    %add3A_11 = arith.constant 128 : i32
    %add3A_12 = arith.addi %mul3A_8, %add3A_11 : i32
    "tpu.region"() ({
      %run_scoped3A = tpu.sem_alloc : memref<!tpu.dma_semaphore, #tpu.memory_space<semaphore_mem>>
      %dma_start3A = arith.constant 0 : i32
      %dma_start3A_29 = tpu.memref_slice %arg9[%add3A_12, %dma_start3A] : memref<10240x128xf32, #tpu.memory_space<vmem_shared>> -> memref<128x128xf32, #tpu.memory_space<vmem_shared>>
      %dma_start3A_30 = arith.constant 0 : i32
      %dma_start3A_31 = tpu.memref_slice %arg9[%add3A_12, %dma_start3A_30] : memref<10240x128xf32, #tpu.memory_space<vmem_shared>> -> memref<128x128xf32, #tpu.memory_space<vmem_shared>>
      tpu.enqueue_dma source(%arg8 : memref<128x128xf32, #tpu.memory_space<vmem>>) target(%dma_start3A_31 : memref<128x128xf32, #tpu.memory_space<vmem_shared>>) target_semaphore(%run_scoped3A : memref<!tpu.dma_semaphore, #tpu.memory_space<semaphore_mem>>)
      %dma_wait3A = arith.constant 0 : i32
      %dma_wait3A_32 = tpu.memref_slice %arg9[%add3A_12, %dma_wait3A] : memref<10240x128xf32, #tpu.memory_space<vmem_shared>> -> memref<128x128xf32, #tpu.memory_space<vmem_shared>>
      %dma_wait3A_33 = arith.constant 0 : i32
      %dma_wait3A_34 = tpu.memref_slice %arg9[%add3A_12, %dma_wait3A_33] : memref<10240x128xf32, #tpu.memory_space<vmem_shared>> -> memref<128x128xf32, #tpu.memory_space<vmem_shared>>
      tpu.wait_dma2 semaphore(%run_scoped3A : memref<!tpu.dma_semaphore, #tpu.memory_space<semaphore_mem>>) src(%arg8 : memref<128x128xf32, #tpu.memory_space<vmem>>) dst(%dma_wait3A_34 : memref<128x128xf32, #tpu.memory_space<vmem_shared>>)
      tpu.yield
    }) : () -> ()
    %add3A_13 = arith.constant 256 : i32
    %add3A_14 = arith.addi %mul3A_8, %add3A_13 : i32
    "tpu.region"() ({
      %run_scoped3A = tpu.sem_alloc : memref<!tpu.dma_semaphore, #tpu.memory_space<semaphore_mem>>
      %dma_start3A = arith.constant 0 : i32
      %dma_start3A_29 = tpu.memref_slice %arg9[%add3A_14, %dma_start3A] : memref<10240x128xf32, #tpu.memory_space<vmem_shared>> -> memref<128x128xf32, #tpu.memory_space<vmem_shared>>
      %dma_start3A_30 = arith.constant 0 : i32
      %dma_start3A_31 = tpu.memref_slice %arg9[%add3A_14, %dma_start3A_30] : memref<10240x128xf32, #tpu.memory_space<vmem_shared>> -> memref<128x128xf32, #tpu.memory_space<vmem_shared>>
      tpu.enqueue_dma source(%arg8 : memref<128x128xf32, #tpu.memory_space<vmem>>) target(%dma_start3A_31 : memref<128x128xf32, #tpu.memory_space<vmem_shared>>) target_semaphore(%run_scoped3A : memref<!tpu.dma_semaphore, #tpu.memory_space<semaphore_mem>>)
      %dma_wait3A = arith.constant 0 : i32
      %dma_wait3A_32 = tpu.memref_slice %arg9[%add3A_14, %dma_wait3A] : memref<10240x128xf32, #tpu.memory_space<vmem_shared>> -> memref<128x128xf32, #tpu.memory_space<vmem_shared>>
      %dma_wait3A_33 = arith.constant 0 : i32
      %dma_wait3A_34 = tpu.memref_slice %arg9[%add3A_14, %dma_wait3A_33] : memref<10240x128xf32, #tpu.memory_space<vmem_shared>> -> memref<128x128xf32, #tpu.memory_space<vmem_shared>>
      tpu.wait_dma2 semaphore(%run_scoped3A : memref<!tpu.dma_semaphore, #tpu.memory_space<semaphore_mem>>) src(%arg8 : memref<128x128xf32, #tpu.memory_space<vmem>>) dst(%dma_wait3A_34 : memref<128x128xf32, #tpu.memory_space<vmem_shared>>)
      tpu.yield
    }) : () -> ()
    %add3A_15 = arith.constant 384 : i32
    %add3A_16 = arith.addi %mul3A_8, %add3A_15 : i32
    "tpu.region"() ({
      %run_scoped3A = tpu.sem_alloc : memref<!tpu.dma_semaphore, #tpu.memory_space<semaphore_mem>>
      %dma_start3A = arith.constant 0 : i32
      %dma_start3A_29 = tpu.memref_slice %arg9[%add3A_16, %dma_start3A] : memref<10240x128xf32, #tpu.memory_space<vmem_shared>> -> memref<128x128xf32, #tpu.memory_space<vmem_shared>>
      %dma_start3A_30 = arith.constant 0 : i32
      %dma_start3A_31 = tpu.memref_slice %arg9[%add3A_16, %dma_start3A_30] : memref<10240x128xf32, #tpu.memory_space<vmem_shared>> -> memref<128x128xf32, #tpu.memory_space<vmem_shared>>
      tpu.enqueue_dma source(%arg8 : memref<128x128xf32, #tpu.memory_space<vmem>>) target(%dma_start3A_31 : memref<128x128xf32, #tpu.memory_space<vmem_shared>>) target_semaphore(%run_scoped3A : memref<!tpu.dma_semaphore, #tpu.memory_space<semaphore_mem>>)
      %dma_wait3A = arith.constant 0 : i32
      %dma_wait3A_32 = tpu.memref_slice %arg9[%add3A_16, %dma_wait3A] : memref<10240x128xf32, #tpu.memory_space<vmem_shared>> -> memref<128x128xf32, #tpu.memory_space<vmem_shared>>
      %dma_wait3A_33 = arith.constant 0 : i32
      %dma_wait3A_34 = tpu.memref_slice %arg9[%add3A_16, %dma_wait3A_33] : memref<10240x128xf32, #tpu.memory_space<vmem_shared>> -> memref<128x128xf32, #tpu.memory_space<vmem_shared>>
      tpu.wait_dma2 semaphore(%run_scoped3A : memref<!tpu.dma_semaphore, #tpu.memory_space<semaphore_mem>>) src(%arg8 : memref<128x128xf32, #tpu.memory_space<vmem>>) dst(%dma_wait3A_34 : memref<128x128xf32, #tpu.memory_space<vmem_shared>>)
      tpu.yield
    }) : () -> ()
    %add3A_17 = arith.constant 512 : i32
    %add3A_18 = arith.addi %mul3A_8, %add3A_17 : i32
    "tpu.region"() ({
      %run_scoped3A = tpu.sem_alloc : memref<!tpu.dma_semaphore, #tpu.memory_space<semaphore_mem>>
      %dma_start3A = arith.constant 0 : i32
      %dma_start3A_29 = tpu.memref_slice %arg9[%add3A_18, %dma_start3A] : memref<10240x128xf32, #tpu.memory_space<vmem_shared>> -> memref<128x128xf32, #tpu.memory_space<vmem_shared>>
      %dma_start3A_30 = arith.constant 0 : i32
      %dma_start3A_31 = tpu.memref_slice %arg9[%add3A_18, %dma_start3A_30] : memref<10240x128xf32, #tpu.memory_space<vmem_shared>> -> memref<128x128xf32, #tpu.memory_space<vmem_shared>>
      tpu.enqueue_dma source(%arg8 : memref<128x128xf32, #tpu.memory_space<vmem>>) target(%dma_start3A_31 : memref<128x128xf32, #tpu.memory_space<vmem_shared>>) target_semaphore(%run_scoped3A : memref<!tpu.dma_semaphore, #tpu.memory_space<semaphore_mem>>)
      %dma_wait3A = arith.constant 0 : i32
      %dma_wait3A_32 = tpu.memref_slice %arg9[%add3A_18, %dma_wait3A] : memref<10240x128xf32, #tpu.memory_space<vmem_shared>> -> memref<128x128xf32, #tpu.memory_space<vmem_shared>>
      %dma_wait3A_33 = arith.constant 0 : i32
      %dma_wait3A_34 = tpu.memref_slice %arg9[%add3A_18, %dma_wait3A_33] : memref<10240x128xf32, #tpu.memory_space<vmem_shared>> -> memref<128x128xf32, #tpu.memory_space<vmem_shared>>
      tpu.wait_dma2 semaphore(%run_scoped3A : memref<!tpu.dma_semaphore, #tpu.memory_space<semaphore_mem>>) src(%arg8 : memref<128x128xf32, #tpu.memory_space<vmem>>) dst(%dma_wait3A_34 : memref<128x128xf32, #tpu.memory_space<vmem_shared>>)
      tpu.yield
    }) : () -> ()
    %barrier3A = arith.constant 0 : index
    tpu.barrier barrier_id(%barrier3A)
    %mul3A_19 = arith.constant 10112 : i32
    %mul3A_20 = arith.muli %add3A, %mul3A_19 : i32
    %scan3A_21 = arith.constant 0 : i32
    %scan3A_22 = arith.constant 0 : i32
    %scan3A_23 = arith.constant 79 : i32
    %scan3A_24 = arith.addi %scan3A_22, %scan3A_23 : i32
    %scan3A_25 = arith.constant 1 : i32
    %scan3A_26 = scf.for %scan3A_29 = %scan3A_22 to %scan3A_24 step %scan3A_25 iter_args(%scan3A_30 = %scan3A_21) -> (i32)  : i32 {
      %mul3A_31 = arith.constant 128 : i32
      %mul3A_32 = arith.muli %scan3A_29, %mul3A_31 : i32
      %add3A_33 = arith.addi %mul3A_20, %mul3A_32 : i32
      %multiple_of3A = tpu.assume_multiple %add3A_33, 8 : i32
      "tpu.region"() ({
        %run_scoped3A = tpu.sem_alloc : memref<!tpu.dma_semaphore, #tpu.memory_space<semaphore_mem>>
        %dma_start3A_39 = tpu.memref_slice %arg3[%multiple_of3A] : memref<323584xi32, #tpu.memory_space<hbm>> -> memref<128xi32, #tpu.memory_space<hbm>>
        %dma_start3A_40 = tpu.memref_slice %arg3[%multiple_of3A] : memref<323584xi32, #tpu.memory_space<hbm>> -> memref<128xi32, #tpu.memory_space<hbm>>
        tpu.enqueue_dma source(%dma_start3A_40 : memref<128xi32, #tpu.memory_space<hbm>>) target(%arg6 : memref<128xi32, #tpu.memory_space<vmem>>) target_semaphore(%run_scoped3A : memref<!tpu.dma_semaphore, #tpu.memory_space<semaphore_mem>>)
        %dma_wait3A_41 = tpu.memref_slice %arg3[%multiple_of3A] : memref<323584xi32, #tpu.memory_space<hbm>> -> memref<128xi32, #tpu.memory_space<hbm>>
        %dma_wait3A_42 = tpu.memref_slice %arg3[%multiple_of3A] : memref<323584xi32, #tpu.memory_space<hbm>> -> memref<128xi32, #tpu.memory_space<hbm>>
        tpu.wait_dma2 semaphore(%run_scoped3A : memref<!tpu.dma_semaphore, #tpu.memory_space<semaphore_mem>>) src(%dma_wait3A_42 : memref<128xi32, #tpu.memory_space<hbm>>) dst(%arg6 : memref<128xi32, #tpu.memory_space<vmem>>)
        tpu.yield
      }) : () -> ()
      "tpu.region"() ({
        %run_scoped3A = tpu.sem_alloc : memref<!tpu.dma_semaphore, #tpu.memory_space<semaphore_mem>>
        %dma_start3A_39 = tpu.memref_slice %arg4[%multiple_of3A] : memref<323584xi32, #tpu.memory_space<hbm>> -> memref<128xi32, #tpu.memory_space<hbm>>
        %dma_start3A_40 = tpu.memref_slice %arg4[%multiple_of3A] : memref<323584xi32, #tpu.memory_space<hbm>> -> memref<128xi32, #tpu.memory_space<hbm>>
        tpu.enqueue_dma source(%dma_start3A_40 : memref<128xi32, #tpu.memory_space<hbm>>) target(%arg7 : memref<128xi32, #tpu.memory_space<vmem>>) target_semaphore(%run_scoped3A : memref<!tpu.dma_semaphore, #tpu.memory_space<semaphore_mem>>)
        %dma_wait3A_41 = tpu.memref_slice %arg4[%multiple_of3A] : memref<323584xi32, #tpu.memory_space<hbm>> -> memref<128xi32, #tpu.memory_space<hbm>>
        %dma_wait3A_42 = tpu.memref_slice %arg4[%multiple_of3A] : memref<323584xi32, #tpu.memory_space<hbm>> -> memref<128xi32, #tpu.memory_space<hbm>>
        tpu.wait_dma2 semaphore(%run_scoped3A : memref<!tpu.dma_semaphore, #tpu.memory_space<semaphore_mem>>) src(%dma_wait3A_42 : memref<128xi32, #tpu.memory_space<hbm>>) dst(%arg7 : memref<128xi32, #tpu.memory_space<vmem>>)
        tpu.yield
      }) : () -> ()
      %dma_start3A = arith.constant 0 : i32
      %dma_start3A_34 = arith.constant 0 : i32
      %dma_start3A_35 = tpu.memref_slice %arg2[%dma_start3A, %dma_start3A_34] : memref<10240x128xf32, #tpu.memory_space<hbm>> -> memref<10240x128xf32, #tpu.memory_space<hbm>>
      tpu.enqueue_indirect_dma source(%dma_start3A_35 : memref<10240x128xf32, #tpu.memory_space<hbm>>) target(%arg8 : memref<128x128xf32, #tpu.memory_space<vmem>>) offsets(%arg6 : memref<128xi32, #tpu.memory_space<vmem>>) semaphore(%arg10 : memref<!tpu.dma_semaphore, #tpu.memory_space<semaphore_mem>>)
      %dma_wait3A = arith.constant 0 : i32
      %dma_wait3A_36 = arith.constant 0 : i32
      %dma_wait3A_37 = tpu.memref_slice %arg2[%dma_wait3A, %dma_wait3A_36] : memref<10240x128xf32, #tpu.memory_space<hbm>> -> memref<10240x128xf32, #tpu.memory_space<hbm>>
      tpu.wait_indirect_dma semaphore(%arg10 : memref<!tpu.dma_semaphore, #tpu.memory_space<semaphore_mem>>) src(%dma_wait3A_37 : memref<10240x128xf32, #tpu.memory_space<hbm>>) dst(%arg8 : memref<128x128xf32, #tpu.memory_space<vmem>>)
      "tpu.region"() ({
        %run_scoped3A = tpu.sem_alloc : memref<!tpu.dma_semaphore, #tpu.memory_space<semaphore_mem>>
        %dma_start3A_39 = arith.constant 0 : i32
        %dma_start3A_40 = arith.constant 0 : i32
        %dma_start3A_41 = tpu.memref_slice %arg9[%dma_start3A_39, %dma_start3A_40] : memref<10240x128xf32, #tpu.memory_space<vmem_shared>> -> memref<10240x128xf32, #tpu.memory_space<vmem_shared>>
        tpu.enqueue_indirect_dma source(%arg8 : memref<128x128xf32, #tpu.memory_space<vmem>>) target(%dma_start3A_41 : memref<10240x128xf32, #tpu.memory_space<vmem_shared>>) offsets(%arg7 : memref<128xi32, #tpu.memory_space<vmem>>) semaphore(%run_scoped3A : memref<!tpu.dma_semaphore, #tpu.memory_space<semaphore_mem>>) {add = true}
        %dma_wait3A_42 = arith.constant 0 : i32
        %dma_wait3A_43 = arith.constant 0 : i32
        %dma_wait3A_44 = tpu.memref_slice %arg9[%dma_wait3A_42, %dma_wait3A_43] : memref<10240x128xf32, #tpu.memory_space<vmem_shared>> -> memref<10240x128xf32, #tpu.memory_space<vmem_shared>>
        tpu.wait_indirect_dma semaphore(%run_scoped3A : memref<!tpu.dma_semaphore, #tpu.memory_space<semaphore_mem>>) src(%arg8 : memref<128x128xf32, #tpu.memory_space<vmem>>) dst(%dma_wait3A_44 : memref<10240x128xf32, #tpu.memory_space<vmem_shared>>)
        tpu.yield
      }) : () -> ()
      %scan3A_38 = arith.constant 0 : i32
      scf.yield %scan3A_38 : i32
    }
    %scan3A_27 = arith.constant 79 : i32
    %barrier3A_28 = arith.constant 0 : index
    tpu.barrier barrier_id(%barrier3A_28)
    "tpu.region"() ({
      %run_scoped3A = tpu.sem_alloc : memref<!tpu.dma_semaphore, #tpu.memory_space<semaphore_mem>>
      %dma_start3A = arith.constant 0 : i32
      %dma_start3A_29 = tpu.memref_slice %arg5[%arg0, %mul3A_8, %dma_start3A] : memref<2x10240x128xf32, #tpu.memory_space<hbm>> -> memref<1x640x128xf32, #tpu.memory_space<hbm>>
      %dma_start3A_30 = tpu.memref_squeeze %dma_start3A_29 : memref<1x640x128xf32, #tpu.memory_space<hbm>> -> memref<640x128xf32, #tpu.memory_space<hbm>>
      %dma_start3A_31 = arith.constant 0 : i32
      %dma_start3A_32 = tpu.memref_slice %arg9[%mul3A_8, %dma_start3A_31] : memref<10240x128xf32, #tpu.memory_space<vmem_shared>> -> memref<640x128xf32, #tpu.memory_space<vmem_shared>>
      tpu.enqueue_dma source(%dma_start3A_32 : memref<640x128xf32, #tpu.memory_space<vmem_shared>>) target(%dma_start3A_30 : memref<640x128xf32, #tpu.memory_space<hbm>>) target_semaphore(%run_scoped3A : memref<!tpu.dma_semaphore, #tpu.memory_space<semaphore_mem>>)
      %dma_wait3A = arith.constant 0 : i32
      %dma_wait3A_33 = tpu.memref_slice %arg5[%arg0, %mul3A_8, %dma_wait3A] : memref<2x10240x128xf32, #tpu.memory_space<hbm>> -> memref<1x640x128xf32, #tpu.memory_space<hbm>>
      %dma_wait3A_34 = tpu.memref_squeeze %dma_wait3A_33 : memref<1x640x128xf32, #tpu.memory_space<hbm>> -> memref<640x128xf32, #tpu.memory_space<hbm>>
      %dma_wait3A_35 = arith.constant 0 : i32
      %dma_wait3A_36 = tpu.memref_slice %arg9[%mul3A_8, %dma_wait3A_35] : memref<10240x128xf32, #tpu.memory_space<vmem_shared>> -> memref<640x128xf32, #tpu.memory_space<vmem_shared>>
      tpu.wait_dma2 semaphore(%run_scoped3A : memref<!tpu.dma_semaphore, #tpu.memory_space<semaphore_mem>>) src(%dma_wait3A_36 : memref<640x128xf32, #tpu.memory_space<vmem_shared>>) dst(%dma_wait3A_34 : memref<640x128xf32, #tpu.memory_space<hbm>>)
      tpu.yield
    }) : () -> ()
    return
  }
}

module attributes {stable_mosaic.version = 14 : i64} {
  func.func @_z1_body(%arg0: i32, %arg1: memref<1280x128xf32, #tpu.memory_space<vmem>>, %arg2: memref<128x128xf32, #tpu.memory_space<vmem>>, %arg3: memref<32x1280xf32, #tpu.memory_space<vmem>>, %arg4: memref<1280x128xf32, #tpu.memory_space<vmem>>) attributes {dimension_semantics = [#tpu.dimension_semantics<arbitrary>], iteration_bounds = array<i64: 8>, scalar_prefetch = 0 : i64, scratch_operands = 0 : i64, tpu.core_type = #tpu.core_type<tc>, window_params = [{transform_indices = @transform_0, window_bounds = array<i64: 1280, 128>}, {pipeline_mode = #tpu.pipeline_mode<synchronous>, transform_indices = @transform_1, window_bounds = array<i64: 128, 128>}, {transform_indices = @transform_2, window_bounds = array<i64: 32, 1280>}, {transform_indices = @transform_3, window_bounds = array<i64: 1280, 128>}]} {
    %get3A = arith.constant 0 : index
    %get3A_0 = arith.constant 0 : index
    %get3A_1 = vector.load %arg3[%get3A, %get3A_0] : memref<32x1280xf32, #tpu.memory_space<vmem>>, vector<32x1280xf32>
    %reduce_sum3A = arith.constant dense<0.000000e+00> : vector<1280xf32>
    %reduce_sum3A_2 = vector.multi_reduction <add>, %get3A_1, %reduce_sum3A [0] : vector<32x1280xf32> to vector<1280xf32>
    %add3A = arith.constant 1.000000e+00 : f32
    %add3A_3 = vector.broadcast %add3A : f32 to vector<1280xf32>
    %add3A_4 = arith.addf %reduce_sum3A_2, %add3A_3 : vector<1280xf32>
    %rsqrt3A = math.rsqrt %add3A_4 : vector<1280xf32>
    %get3A_5 = arith.constant 0 : index
    %get3A_6 = arith.constant 0 : index
    %get3A_7 = vector.load %arg1[%get3A_5, %get3A_6] : memref<1280x128xf32, #tpu.memory_space<vmem>>, vector<1280x128xf32>
    %get3A_8 = arith.constant 0 : index
    %get3A_9 = arith.constant 0 : index
    %get3A_10 = vector.load %arg2[%get3A_8, %get3A_9] : memref<128x128xf32, #tpu.memory_space<vmem>>, vector<128x128xf32>
    %dot_general3A = arith.constant dense<0.000000e+00> : vector<1280x128xf32>
    %dot_general3A_11 = tpu.matmul %get3A_7, %get3A_10, %dot_general3A {dimension_numbers = #tpu.dot_dimension_numbers<[1], [0], [0], [1], [0, 0, 1, 1], [], []>, transpose_lhs_hint = false} : vector<1280x128xf32>, vector<128x128xf32>, vector<1280x128xf32> -> vector<1280x128xf32>
    %broadcast_in_dim3A = vector.shape_cast %rsqrt3A : vector<1280xf32> to vector<1280x1xf32>
    %mul3A = vector.broadcast %broadcast_in_dim3A : vector<1280x1xf32> to vector<1280x128xf32>
    %mul3A_12 = arith.mulf %dot_general3A_11, %mul3A : vector<1280x128xf32>
    %swap3A = arith.constant 0 : index
    %swap3A_13 = arith.constant 0 : index
    %swap3A_14 = vector.load %arg4[%swap3A, %swap3A_13] : memref<1280x128xf32, #tpu.memory_space<vmem>>, vector<1280x128xf32>
    tpu.vector_store %arg4[%swap3A, %swap3A_13], %mul3A_12 {strides = array<i32>} : memref<1280x128xf32, #tpu.memory_space<vmem>>, vector<1280x128xf32>,
    return
  }
  func.func @transform_0(%arg0: i32) -> (i32, i32) {
    %c0_i32 = arith.constant 0 : i32
    %c0_i32_0 = arith.constant 0 : i32
    return %arg0, %c0_i32 : i32, i32
  }
  func.func @transform_1(%arg0: i32) -> (i32, i32) {
    %c0_i32 = arith.constant 0 : i32
    %c0_i32_0 = arith.constant 0 : i32
    %c0_i32_1 = arith.constant 0 : i32
    return %c0_i32, %c0_i32_0 : i32, i32
  }
  func.func @transform_2(%arg0: i32) -> (i32, i32) {
    %c0_i32 = arith.constant 0 : i32
    %c0_i32_0 = arith.constant 0 : i32
    return %c0_i32, %arg0 : i32, i32
  }
  func.func @transform_3(%arg0: i32) -> (i32, i32) {
    %c0_i32 = arith.constant 0 : i32
    %c0_i32_0 = arith.constant 0 : i32
    return %arg0, %c0_i32 : i32, i32
  }
}

module attributes {stable_mosaic.version = 14 : i64} {
  func.func @_h1z2_body(%arg0: i32, %arg1: memref<2x1280x128xf32, #tpu.memory_space<vmem>>, %arg2: memref<1280x128xf32, #tpu.memory_space<vmem>>, %arg3: memref<32x1280xf32, #tpu.memory_space<vmem>>, %arg4: memref<1x128xf32, #tpu.memory_space<vmem>>, %arg5: memref<1x128xf32, #tpu.memory_space<vmem>>, %arg6: memref<1x128xf32, #tpu.memory_space<vmem>>, %arg7: memref<128x128xf32, #tpu.memory_space<vmem>>, %arg8: memref<1280x128xf32, #tpu.memory_space<vmem>>) attributes {dimension_semantics = [#tpu.dimension_semantics<arbitrary>], iteration_bounds = array<i64: 8>, scalar_prefetch = 0 : i64, scratch_operands = 0 : i64, tpu.core_type = #tpu.core_type<tc>, window_params = [{transform_indices = @transform_0, window_bounds = array<i64: 2, 1280, 128>}, {transform_indices = @transform_1, window_bounds = array<i64: 1280, 128>}, {transform_indices = @transform_2, window_bounds = array<i64: 32, 1280>}, {pipeline_mode = #tpu.pipeline_mode<synchronous>, transform_indices = @transform_3, window_bounds = array<i64: 1, 128>}, {pipeline_mode = #tpu.pipeline_mode<synchronous>, transform_indices = @transform_4, window_bounds = array<i64: 1, 128>}, {pipeline_mode = #tpu.pipeline_mode<synchronous>, transform_indices = @transform_5, window_bounds = array<i64: 1, 128>}, {pipeline_mode = #tpu.pipeline_mode<synchronous>, transform_indices = @transform_6, window_bounds = array<i64: 128, 128>}, {transform_indices = @transform_7, window_bounds = array<i64: 1280, 128>}]} {
    %get3A = arith.constant 0 : index
    %get3A_0 = arith.constant 0 : index
    %get3A_1 = vector.load %arg3[%get3A, %get3A_0] : memref<32x1280xf32, #tpu.memory_space<vmem>>, vector<32x1280xf32>
    %reduce_sum3A = arith.constant dense<0.000000e+00> : vector<1280xf32>
    %reduce_sum3A_2 = vector.multi_reduction <add>, %get3A_1, %reduce_sum3A [0] : vector<32x1280xf32> to vector<1280xf32>
    %add3A = arith.constant 1.000000e+00 : f32
    %add3A_3 = vector.broadcast %add3A : f32 to vector<1280xf32>
    %add3A_4 = arith.addf %reduce_sum3A_2, %add3A_3 : vector<1280xf32>
    %rsqrt3A = math.rsqrt %add3A_4 : vector<1280xf32>
    %get3A_5 = arith.constant 0 : index
    %get3A_6 = arith.constant 0 : index
    %get3A_7 = arith.constant 0 : index
    %get3A_8 = vector.load %arg1[%get3A_5, %get3A_6, %get3A_7] : memref<2x1280x128xf32, #tpu.memory_space<vmem>>, vector<1x1280x128xf32>
    %get3A_9 = vector.shape_cast %get3A_8 : vector<1x1280x128xf32> to vector<1280x128xf32>
    %get3A_10 = arith.constant 1 : index
    %get3A_11 = arith.constant 0 : index
    %get3A_12 = arith.constant 0 : index
    %get3A_13 = vector.load %arg1[%get3A_10, %get3A_11, %get3A_12] : memref<2x1280x128xf32, #tpu.memory_space<vmem>>, vector<1x1280x128xf32>
    %get3A_14 = vector.shape_cast %get3A_13 : vector<1x1280x128xf32> to vector<1280x128xf32>
    %add3A_15 = arith.addf %get3A_9, %get3A_14 : vector<1280x128xf32>
    %get3A_16 = arith.constant 0 : index
    %get3A_17 = arith.constant 0 : index
    %get3A_18 = vector.load %arg2[%get3A_16, %get3A_17] : memref<1280x128xf32, #tpu.memory_space<vmem>>, vector<1280x128xf32>
    %add3A_19 = arith.addf %add3A_15, %get3A_18 : vector<1280x128xf32>
    %broadcast_in_dim3A = vector.shape_cast %rsqrt3A : vector<1280xf32> to vector<1280x1xf32>
    %mul3A = vector.broadcast %broadcast_in_dim3A : vector<1280x1xf32> to vector<1280x128xf32>
    %mul3A_20 = arith.mulf %add3A_19, %mul3A : vector<1280x128xf32>
    %get3A_21 = arith.constant 0 : index
    %get3A_22 = arith.constant 0 : index
    %get3A_23 = vector.load %arg4[%get3A_21, %get3A_22] : memref<1x128xf32, #tpu.memory_space<vmem>>, vector<1x128xf32>
    %add3A_24 = vector.broadcast %get3A_23 : vector<1x128xf32> to vector<1280x128xf32>
    %add3A_25 = arith.addf %mul3A_20, %add3A_24 : vector<1280x128xf32>
    %get3A_26 = arith.constant 0 : index
    %get3A_27 = arith.constant 0 : index
    %get3A_28 = vector.load %arg5[%get3A_26, %get3A_27] : memref<1x128xf32, #tpu.memory_space<vmem>>, vector<1x128xf32>
    %mul3A_29 = arith.constant 0.999994993 : f32
    %mul3A_30 = vector.broadcast %mul3A_29 : f32 to vector<1x128xf32>
    %mul3A_31 = arith.mulf %get3A_28, %mul3A_30 : vector<1x128xf32>
    %mul3A_32 = vector.broadcast %mul3A_31 : vector<1x128xf32> to vector<1280x128xf32>
    %mul3A_33 = arith.mulf %add3A_25, %mul3A_32 : vector<1280x128xf32>
    %get3A_34 = arith.constant 0 : index
    %get3A_35 = arith.constant 0 : index
    %get3A_36 = vector.load %arg6[%get3A_34, %get3A_35] : memref<1x128xf32, #tpu.memory_space<vmem>>, vector<1x128xf32>
    %add3A_37 = vector.broadcast %get3A_36 : vector<1x128xf32> to vector<1280x128xf32>
    %add3A_38 = arith.addf %mul3A_33, %add3A_37 : vector<1280x128xf32>
    %max3A = arith.constant 0.000000e+00 : f32
    %max3A_39 = vector.broadcast %max3A : f32 to vector<1280x128xf32>
    %max3A_40 = arith.maximumf %add3A_38, %max3A_39 : vector<1280x128xf32>
    %get3A_41 = arith.constant 0 : index
    %get3A_42 = arith.constant 0 : index
    %get3A_43 = vector.load %arg7[%get3A_41, %get3A_42] : memref<128x128xf32, #tpu.memory_space<vmem>>, vector<128x128xf32>
    %dot_general3A = arith.constant dense<0.000000e+00> : vector<1280x128xf32>
    %dot_general3A_44 = tpu.matmul %max3A_40, %get3A_43, %dot_general3A {dimension_numbers = #tpu.dot_dimension_numbers<[1], [0], [0], [1], [0, 0, 1, 1], [], []>, transpose_lhs_hint = false} : vector<1280x128xf32>, vector<128x128xf32>, vector<1280x128xf32> -> vector<1280x128xf32>
    %broadcast_in_dim3A_45 = vector.shape_cast %rsqrt3A : vector<1280xf32> to vector<1280x1xf32>
    %mul3A_46 = vector.broadcast %broadcast_in_dim3A_45 : vector<1280x1xf32> to vector<1280x128xf32>
    %mul3A_47 = arith.mulf %dot_general3A_44, %mul3A_46 : vector<1280x128xf32>
    %swap3A = arith.constant 0 : index
    %swap3A_48 = arith.constant 0 : index
    %swap3A_49 = vector.load %arg8[%swap3A, %swap3A_48] : memref<1280x128xf32, #tpu.memory_space<vmem>>, vector<1280x128xf32>
    tpu.vector_store %arg8[%swap3A, %swap3A_48], %mul3A_47 {strides = array<i32>} : memref<1280x128xf32, #tpu.memory_space<vmem>>, vector<1280x128xf32>,
    return
  }
  func.func @transform_0(%arg0: i32) -> (i32, i32, i32) {
    %c0_i32 = arith.constant 0 : i32
    %c0_i32_0 = arith.constant 0 : i32
    %c0_i32_1 = arith.constant 0 : i32
    return %c0_i32, %arg0, %c0_i32_0 : i32, i32, i32
  }
  func.func @transform_1(%arg0: i32) -> (i32, i32) {
    %c0_i32 = arith.constant 0 : i32
    %c0_i32_0 = arith.constant 0 : i32
    return %arg0, %c0_i32 : i32, i32
  }
  func.func @transform_2(%arg0: i32) -> (i32, i32) {
    %c0_i32 = arith.constant 0 : i32
    %c0_i32_0 = arith.constant 0 : i32
    return %c0_i32, %arg0 : i32, i32
  }
  func.func @transform_3(%arg0: i32) -> (i32, i32) {
    %c0_i32 = arith.constant 0 : i32
    %c0_i32_0 = arith.constant 0 : i32
    %c0_i32_1 = arith.constant 0 : i32
    return %c0_i32, %c0_i32_0 : i32, i32
  }
  func.func @transform_4(%arg0: i32) -> (i32, i32) {
    %c0_i32 = arith.constant 0 : i32
    %c0_i32_0 = arith.constant 0 : i32
    %c0_i32_1 = arith.constant 0 : i32
    return %c0_i32, %c0_i32_0 : i32, i32
  }
  func.func @transform_5(%arg0: i32) -> (i32, i32) {
    %c0_i32 = arith.constant 0 : i32
    %c0_i32_0 = arith.constant 0 : i32
    %c0_i32_1 = arith.constant 0 : i32
    return %c0_i32, %c0_i32_0 : i32, i32
  }
  func.func @transform_6(%arg0: i32) -> (i32, i32) {
    %c0_i32 = arith.constant 0 : i32
    %c0_i32_0 = arith.constant 0 : i32
    %c0_i32_1 = arith.constant 0 : i32
    return %c0_i32, %c0_i32_0 : i32, i32
  }
  func.func @transform_7(%arg0: i32) -> (i32, i32) {
    %c0_i32 = arith.constant 0 : i32
    %c0_i32_0 = arith.constant 0 : i32
    return %arg0, %c0_i32 : i32, i32
  }
}

module attributes {stable_mosaic.version = 14 : i64} {
  func.func @_final_body(%arg0: i32, %arg1: memref<2x1280x128xf32, #tpu.memory_space<vmem>>, %arg2: memref<1280x128xf32, #tpu.memory_space<vmem>>, %arg3: memref<32x1280xf32, #tpu.memory_space<vmem>>, %arg4: memref<1x128xf32, #tpu.memory_space<vmem>>, %arg5: memref<1x1x1280xi32, #tpu.memory_space<vmem>>, %arg6: memref<64x64xf32, #tpu.memory_space<vmem>>, %arg7: memref<128x64xf32, #tpu.memory_space<vmem>>, %arg8: memref<1x64xf32, #tpu.memory_space<vmem>>, %arg9: memref<64x64xf32, #tpu.memory_space<vmem>>, %arg10: memref<1x64xf32, #tpu.memory_space<vmem>>, %arg11: memref<128x128xf32, #tpu.memory_space<vmem>>, %arg12: memref<1x128xf32, #tpu.memory_space<vmem>>, %arg13: memref<64x128xf32, #tpu.memory_space<vmem>>, %arg14: memref<64x128xf32, #tpu.memory_space<vmem>>, %arg15: memref<64x128xf32, #tpu.memory_space<vmem>>) attributes {dimension_semantics = [#tpu.dimension_semantics<arbitrary>], iteration_bounds = array<i64: 8>, scalar_prefetch = 0 : i64, scratch_operands = 2 : i64, tpu.core_type = #tpu.core_type<tc>, window_params = [{transform_indices = @transform_0, window_bounds = array<i64: 2, 1280, 128>}, {transform_indices = @transform_1, window_bounds = array<i64: 1280, 128>}, {transform_indices = @transform_2, window_bounds = array<i64: 32, 1280>}, {pipeline_mode = #tpu.pipeline_mode<synchronous>, transform_indices = @transform_3, window_bounds = array<i64: 1, 128>}, {transform_indices = @transform_4, window_bounds = array<i64: 1, 1, 1280>}, {pipeline_mode = #tpu.pipeline_mode<synchronous>, transform_indices = @transform_5, window_bounds = array<i64: 64, 64>}, {pipeline_mode = #tpu.pipeline_mode<synchronous>, transform_indices = @transform_6, window_bounds = array<i64: 128, 64>}, {pipeline_mode = #tpu.pipeline_mode<synchronous>, transform_indices = @transform_7, window_bounds = array<i64: 1, 64>}, {pipeline_mode = #tpu.pipeline_mode<synchronous>, transform_indices = @transform_8, window_bounds = array<i64: 64, 64>}, {pipeline_mode = #tpu.pipeline_mode<synchronous>, transform_indices = @transform_9, window_bounds = array<i64: 1, 64>}, {pipeline_mode = #tpu.pipeline_mode<synchronous>, transform_indices = @transform_10, window_bounds = array<i64: 128, 128>}, {pipeline_mode = #tpu.pipeline_mode<synchronous>, transform_indices = @transform_11, window_bounds = array<i64: 1, 128>}, {pipeline_mode = #tpu.pipeline_mode<synchronous>, transform_indices = @transform_12, window_bounds = array<i64: 64, 128>}]} {
    %eq3A = arith.constant 0 : i32
    %eq3A_0 = arith.cmpi eq, %arg0, %eq3A : i32
    %convert_element_type3A = arith.extui %eq3A_0 : i1 to i32
    %cond3A = arith.constant 0 : i32
    %cond3A_1 = arith.cmpi ne, %convert_element_type3A, %cond3A : i32
    scf.if %cond3A_1 {
      %broadcast_in_dim3A_63 = arith.constant 0.000000e+00 : f32
      %broadcast_in_dim3A_64 = vector.broadcast %broadcast_in_dim3A_63 : f32 to vector<64x128xf32>
      %swap3A_65 = arith.constant 0 : index
      %swap3A_66 = arith.constant 0 : index
      %swap3A_67 = vector.load %arg14[%swap3A_65, %swap3A_66] : memref<64x128xf32, #tpu.memory_space<vmem>>, vector<64x128xf32>
      tpu.vector_store %arg14[%swap3A_65, %swap3A_66], %broadcast_in_dim3A_64 {strides = array<i32>} : memref<64x128xf32, #tpu.memory_space<vmem>>, vector<64x128xf32>,
      %broadcast_in_dim3A_68 = arith.constant 0.000000e+00 : f32
      %broadcast_in_dim3A_69 = vector.broadcast %broadcast_in_dim3A_68 : f32 to vector<64x128xf32>
      %swap3A_70 = arith.constant 0 : index
      %swap3A_71 = arith.constant 0 : index
      %swap3A_72 = vector.load %arg15[%swap3A_70, %swap3A_71] : memref<64x128xf32, #tpu.memory_space<vmem>>, vector<64x128xf32>
      tpu.vector_store %arg15[%swap3A_70, %swap3A_71], %broadcast_in_dim3A_69 {strides = array<i32>} : memref<64x128xf32, #tpu.memory_space<vmem>>, vector<64x128xf32>,
    } else {
    }
    %get3A = arith.constant 0 : index
    %get3A_2 = arith.constant 0 : index
    %get3A_3 = vector.load %arg3[%get3A, %get3A_2] : memref<32x1280xf32, #tpu.memory_space<vmem>>, vector<32x1280xf32>
    %reduce_sum3A = arith.constant dense<0.000000e+00> : vector<1280xf32>
    %reduce_sum3A_4 = vector.multi_reduction <add>, %get3A_3, %reduce_sum3A [0] : vector<32x1280xf32> to vector<1280xf32>
    %add3A = arith.constant 1.000000e+00 : f32
    %add3A_5 = vector.broadcast %add3A : f32 to vector<1280xf32>
    %add3A_6 = arith.addf %reduce_sum3A_4, %add3A_5 : vector<1280xf32>
    %rsqrt3A = math.rsqrt %add3A_6 : vector<1280xf32>
    %get3A_7 = arith.constant 0 : index
    %get3A_8 = arith.constant 0 : index
    %get3A_9 = arith.constant 0 : index
    %get3A_10 = vector.load %arg1[%get3A_7, %get3A_8, %get3A_9] : memref<2x1280x128xf32, #tpu.memory_space<vmem>>, vector<1x1280x128xf32>
    %get3A_11 = vector.shape_cast %get3A_10 : vector<1x1280x128xf32> to vector<1280x128xf32>
    %get3A_12 = arith.constant 1 : index
    %get3A_13 = arith.constant 0 : index
    %get3A_14 = arith.constant 0 : index
    %get3A_15 = vector.load %arg1[%get3A_12, %get3A_13, %get3A_14] : memref<2x1280x128xf32, #tpu.memory_space<vmem>>, vector<1x1280x128xf32>
    %get3A_16 = vector.shape_cast %get3A_15 : vector<1x1280x128xf32> to vector<1280x128xf32>
    %add3A_17 = arith.addf %get3A_11, %get3A_16 : vector<1280x128xf32>
    %get3A_18 = arith.constant 0 : index
    %get3A_19 = arith.constant 0 : index
    %get3A_20 = vector.load %arg2[%get3A_18, %get3A_19] : memref<1280x128xf32, #tpu.memory_space<vmem>>, vector<1280x128xf32>
    %add3A_21 = arith.addf %add3A_17, %get3A_20 : vector<1280x128xf32>
    %broadcast_in_dim3A = vector.shape_cast %rsqrt3A : vector<1280xf32> to vector<1280x1xf32>
    %mul3A = vector.broadcast %broadcast_in_dim3A : vector<1280x1xf32> to vector<1280x128xf32>
    %mul3A_22 = arith.mulf %add3A_21, %mul3A : vector<1280x128xf32>
    %get3A_23 = arith.constant 0 : index
    %get3A_24 = arith.constant 0 : index
    %get3A_25 = vector.load %arg4[%get3A_23, %get3A_24] : memref<1x128xf32, #tpu.memory_space<vmem>>, vector<1x128xf32>
    %add3A_26 = vector.broadcast %get3A_25 : vector<1x128xf32> to vector<1280x128xf32>
    %add3A_27 = arith.addf %mul3A_22, %add3A_26 : vector<1280x128xf32>
    %get3A_28 = arith.constant 0 : index
    %get3A_29 = arith.constant 0 : index
    %get3A_30 = arith.constant 0 : index
    %get3A_31 = vector.load %arg5[%get3A_28, %get3A_29, %get3A_30] : memref<1x1x1280xi32, #tpu.memory_space<vmem>>, vector<1x1x1280xi32>
    %get3A_32 = vector.shape_cast %get3A_31 : vector<1x1x1280xi32> to vector<1280xi32>
    %iota3A = tpu.iota {dimensions = array<i32: 0>} : vector<64x1280xi32>
    %broadcast_in_dim3A_33 = vector.shape_cast %get3A_32 : vector<1280xi32> to vector<1x1280xi32>
    %broadcast_in_dim3A_34 = vector.shape_cast %broadcast_in_dim3A_33 : vector<1x1280xi32> to vector<1x1280xi32>
    %broadcast_in_dim3A_35 = vector.broadcast %broadcast_in_dim3A_34 : vector<1x1280xi32> to vector<64x1280xi32>
    %eq3A_36 = arith.cmpi eq, %iota3A, %broadcast_in_dim3A_35 : vector<64x1280xi32>
    %convert_element_type3A_37 = arith.extui %eq3A_36 : vector<64x1280xi1> to vector<64x1280xi32>
    %convert_element_type3A_38 = arith.sitofp %convert_element_type3A_37 : vector<64x1280xi32> to vector<64x1280xf32>
    %get3A_39 = arith.constant 0 : index
    %get3A_40 = arith.constant 0 : index
    %get3A_41 = vector.load %arg14[%get3A_39, %get3A_40] : memref<64x128xf32, #tpu.memory_space<vmem>>, vector<64x128xf32>
    %dot_general3A = arith.constant dense<0.000000e+00> : vector<64x128xf32>
    %dot_general3A_42 = tpu.matmul %convert_element_type3A_38, %add3A_27, %dot_general3A {dimension_numbers = #tpu.dot_dimension_numbers<[1], [0], [0], [1], [0, 0, 1, 1], [], []>, transpose_lhs_hint = false} : vector<64x1280xf32>, vector<1280x128xf32>, vector<64x128xf32> -> vector<64x128xf32>
    %add3A_43 = arith.addf %get3A_41, %dot_general3A_42 : vector<64x128xf32>
    %swap3A = arith.constant 0 : index
    %swap3A_44 = arith.constant 0 : index
    %swap3A_45 = vector.load %arg14[%swap3A, %swap3A_44] : memref<64x128xf32, #tpu.memory_space<vmem>>, vector<64x128xf32>
    tpu.vector_store %arg14[%swap3A, %swap3A_44], %add3A_43 {strides = array<i32>} : memref<64x128xf32, #tpu.memory_space<vmem>>, vector<64x128xf32>,
    %get3A_46 = arith.constant 0 : index
    %get3A_47 = arith.constant 0 : index
    %get3A_48 = vector.load %arg15[%get3A_46, %get3A_47] : memref<64x128xf32, #tpu.memory_space<vmem>>, vector<64x128xf32>
    %reduce_sum3A_49 = arith.constant dense<0.000000e+00> : vector<64xf32>
    %reduce_sum3A_50 = vector.multi_reduction <add>, %convert_element_type3A_38, %reduce_sum3A_49 [1] : vector<64x1280xf32> to vector<64xf32>
    %broadcast_in_dim3A_51 = vector.shape_cast %reduce_sum3A_50 : vector<64xf32> to vector<64x1xf32>
    %broadcast_in_dim3A_52 = vector.shape_cast %broadcast_in_dim3A_51 : vector<64x1xf32> to vector<64x1xf32>
    %broadcast_in_dim3A_53 = vector.broadcast %broadcast_in_dim3A_52 : vector<64x1xf32> to vector<64x128xf32>
    %add3A_54 = arith.addf %get3A_48, %broadcast_in_dim3A_53 : vector<64x128xf32>
    %swap3A_55 = arith.constant 0 : index
    %swap3A_56 = arith.constant 0 : index
    %swap3A_57 = vector.load %arg15[%swap3A_55, %swap3A_56] : memref<64x128xf32, #tpu.memory_space<vmem>>, vector<64x128xf32>
    tpu.vector_store %arg15[%swap3A_55, %swap3A_56], %add3A_54 {strides = array<i32>} : memref<64x128xf32, #tpu.memory_space<vmem>>, vector<64x128xf32>,
    %eq3A_58 = arith.constant 7 : i32
    %eq3A_59 = arith.cmpi eq, %arg0, %eq3A_58 : i32
    %convert_element_type3A_60 = arith.extui %eq3A_59 : i1 to i32
    %cond3A_61 = arith.constant 0 : i32
    %cond3A_62 = arith.cmpi ne, %convert_element_type3A_60, %cond3A_61 : i32
    scf.if %cond3A_62 {
      %get3A_63 = arith.constant 0 : index
      %get3A_64 = arith.constant 0 : index
      %get3A_65 = vector.load %arg14[%get3A_63, %get3A_64] : memref<64x128xf32, #tpu.memory_space<vmem>>, vector<64x128xf32>
      %get3A_66 = arith.constant 0 : index
      %get3A_67 = arith.constant 0 : index
      %get3A_68 = vector.load %arg15[%get3A_66, %get3A_67] : memref<64x128xf32, #tpu.memory_space<vmem>>, vector<64x128xf32>
      %max3A = arith.constant 1.000000e+00 : f32
      %max3A_69 = vector.broadcast %max3A : f32 to vector<64x128xf32>
      %max3A_70 = arith.maximumf %get3A_68, %max3A_69 : vector<64x128xf32>
      %div3A = arith.divf %get3A_65, %max3A_70 : vector<64x128xf32>
      %get3A_71 = arith.constant 0 : index
      %get3A_72 = arith.constant 0 : index
      %get3A_73 = vector.load %arg7[%get3A_71, %get3A_72] : memref<128x64xf32, #tpu.memory_space<vmem>>, vector<128x64xf32>
      %dot_general3A_74 = arith.constant dense<0.000000e+00> : vector<64x64xf32>
      %dot_general3A_75 = tpu.matmul %div3A, %get3A_73, %dot_general3A_74 {dimension_numbers = #tpu.dot_dimension_numbers<[1], [0], [0], [1], [0, 0, 1, 1], [], []>, transpose_lhs_hint = false} : vector<64x128xf32>, vector<128x64xf32>, vector<64x64xf32> -> vector<64x64xf32>
      %get3A_76 = arith.constant 0 : index
      %get3A_77 = arith.constant 0 : index
      %get3A_78 = vector.load %arg8[%get3A_76, %get3A_77] : memref<1x64xf32, #tpu.memory_space<vmem>>, vector<1x64xf32>
      %add3A_79 = vector.broadcast %get3A_78 : vector<1x64xf32> to vector<64x64xf32>
      %add3A_80 = arith.addf %dot_general3A_75, %add3A_79 : vector<64x64xf32>
      %max3A_81 = arith.constant 0.000000e+00 : f32
      %max3A_82 = vector.broadcast %max3A_81 : f32 to vector<64x64xf32>
      %max3A_83 = arith.maximumf %add3A_80, %max3A_82 : vector<64x64xf32>
      %get3A_84 = arith.constant 0 : index
      %get3A_85 = arith.constant 0 : index
      %get3A_86 = vector.load %arg6[%get3A_84, %get3A_85] : memref<64x64xf32, #tpu.memory_space<vmem>>, vector<64x64xf32>
      %get3A_87 = arith.constant 0 : index
      %get3A_88 = arith.constant 0 : index
      %get3A_89 = vector.load %arg9[%get3A_87, %get3A_88] : memref<64x64xf32, #tpu.memory_space<vmem>>, vector<64x64xf32>
      %dot_general3A_90 = arith.constant dense<0.000000e+00> : vector<64x64xf32>
      %dot_general3A_91 = tpu.matmul %get3A_86, %get3A_89, %dot_general3A_90 {dimension_numbers = #tpu.dot_dimension_numbers<[1], [0], [0], [1], [0, 0, 1, 1], [], []>, transpose_lhs_hint = false} : vector<64x64xf32>, vector<64x64xf32>, vector<64x64xf32> -> vector<64x64xf32>
      %get3A_92 = arith.constant 0 : index
      %get3A_93 = arith.constant 0 : index
      %get3A_94 = vector.load %arg10[%get3A_92, %get3A_93] : memref<1x64xf32, #tpu.memory_space<vmem>>, vector<1x64xf32>
      %add3A_95 = vector.broadcast %get3A_94 : vector<1x64xf32> to vector<64x64xf32>
      %add3A_96 = arith.addf %dot_general3A_91, %add3A_95 : vector<64x64xf32>
      %max3A_97 = arith.constant 0.000000e+00 : f32
      %max3A_98 = vector.broadcast %max3A_97 : f32 to vector<64x64xf32>
      %max3A_99 = arith.maximumf %add3A_96, %max3A_98 : vector<64x64xf32>
      %concatenate3A = tpu.concatenate %max3A_83, %max3A_99 in 1 : vector<64x64xf32>, vector<64x64xf32> -> vector<64x128xf32>
      %get3A_100 = arith.constant 0 : index
      %get3A_101 = arith.constant 0 : index
      %get3A_102 = vector.load %arg11[%get3A_100, %get3A_101] : memref<128x128xf32, #tpu.memory_space<vmem>>, vector<128x128xf32>
      %dot_general3A_103 = arith.constant dense<0.000000e+00> : vector<64x128xf32>
      %dot_general3A_104 = tpu.matmul %concatenate3A, %get3A_102, %dot_general3A_103 {dimension_numbers = #tpu.dot_dimension_numbers<[1], [0], [0], [1], [0, 0, 1, 1], [], []>, transpose_lhs_hint = false} : vector<64x128xf32>, vector<128x128xf32>, vector<64x128xf32> -> vector<64x128xf32>
      %get3A_105 = arith.constant 0 : index
      %get3A_106 = arith.constant 0 : index
      %get3A_107 = vector.load %arg12[%get3A_105, %get3A_106] : memref<1x128xf32, #tpu.memory_space<vmem>>, vector<1x128xf32>
      %add3A_108 = vector.broadcast %get3A_107 : vector<1x128xf32> to vector<64x128xf32>
      %add3A_109 = arith.addf %dot_general3A_104, %add3A_108 : vector<64x128xf32>
      %swap3A_110 = arith.constant 0 : index
      %swap3A_111 = arith.constant 0 : index
      %swap3A_112 = vector.load %arg13[%swap3A_110, %swap3A_111] : memref<64x128xf32, #tpu.memory_space<vmem>>, vector<64x128xf32>
      tpu.vector_store %arg13[%swap3A_110, %swap3A_111], %add3A_109 {strides = array<i32>} : memref<64x128xf32, #tpu.memory_space<vmem>>, vector<64x128xf32>,
    } else {
    }
    return
  }
  func.func @transform_0(%arg0: i32) -> (i32, i32, i32) {
    %c0_i32 = arith.constant 0 : i32
    %c0_i32_0 = arith.constant 0 : i32
    %c0_i32_1 = arith.constant 0 : i32
    return %c0_i32, %arg0, %c0_i32_0 : i32, i32, i32
  }
  func.func @transform_1(%arg0: i32) -> (i32, i32) {
    %c0_i32 = arith.constant 0 : i32
    %c0_i32_0 = arith.constant 0 : i32
    return %arg0, %c0_i32 : i32, i32
  }
  func.func @transform_2(%arg0: i32) -> (i32, i32) {
    %c0_i32 = arith.constant 0 : i32
    %c0_i32_0 = arith.constant 0 : i32
    return %c0_i32, %arg0 : i32, i32
  }
  func.func @transform_3(%arg0: i32) -> (i32, i32) {
    %c0_i32 = arith.constant 0 : i32
    %c0_i32_0 = arith.constant 0 : i32
    %c0_i32_1 = arith.constant 0 : i32
    return %c0_i32, %c0_i32_0 : i32, i32
  }
  func.func @transform_4(%arg0: i32) -> (i32, i32, i32) {
    %c0_i32 = arith.constant 0 : i32
    %c0_i32_0 = arith.constant 0 : i32
    %c0_i32_1 = arith.constant 0 : i32
    return %arg0, %c0_i32, %c0_i32_0 : i32, i32, i32
  }
  func.func @transform_5(%arg0: i32) -> (i32, i32) {
    %c0_i32 = arith.constant 0 : i32
    %c0_i32_0 = arith.constant 0 : i32
    %c0_i32_1 = arith.constant 0 : i32
    return %c0_i32, %c0_i32_0 : i32, i32
  }
  func.func @transform_6(%arg0: i32) -> (i32, i32) {
    %c0_i32 = arith.constant 0 : i32
    %c0_i32_0 = arith.constant 0 : i32
    %c0_i32_1 = arith.constant 0 : i32
    return %c0_i32, %c0_i32_0 : i32, i32
  }
  func.func @transform_7(%arg0: i32) -> (i32, i32) {
    %c0_i32 = arith.constant 0 : i32
    %c0_i32_0 = arith.constant 0 : i32
    %c0_i32_1 = arith.constant 0 : i32
    return %c0_i32, %c0_i32_0 : i32, i32
  }
  func.func @transform_8(%arg0: i32) -> (i32, i32) {
    %c0_i32 = arith.constant 0 : i32
    %c0_i32_0 = arith.constant 0 : i32
    %c0_i32_1 = arith.constant 0 : i32
    return %c0_i32, %c0_i32_0 : i32, i32
  }
  func.func @transform_9(%arg0: i32) -> (i32, i32) {
    %c0_i32 = arith.constant 0 : i32
    %c0_i32_0 = arith.constant 0 : i32
    %c0_i32_1 = arith.constant 0 : i32
    return %c0_i32, %c0_i32_0 : i32, i32
  }
  func.func @transform_10(%arg0: i32) -> (i32, i32) {
    %c0_i32 = arith.constant 0 : i32
    %c0_i32_0 = arith.constant 0 : i32
    %c0_i32_1 = arith.constant 0 : i32
    return %c0_i32, %c0_i32_0 : i32, i32
  }
  func.func @transform_11(%arg0: i32) -> (i32, i32) {
    %c0_i32 = arith.constant 0 : i32
    %c0_i32_0 = arith.constant 0 : i32
    %c0_i32_1 = arith.constant 0 : i32
    return %c0_i32, %c0_i32_0 : i32, i32
  }
  func.func @transform_12(%arg0: i32) -> (i32, i32) {
    %c0_i32 = arith.constant 0 : i32
    %c0_i32_0 = arith.constant 0 : i32
    %c0_i32_1 = arith.constant 0 : i32
    return %c0_i32, %c0_i32_0 : i32, i32
  }
}

</mosaic_0001>

<sc_bundles>
// kernel: kernel.11.cloned.1.call-start
scs
__scs_entry_jumppad:
0x0: {  	(pc) =	sbr.rel $0x88, $3  }
0x1: {  	(tag) =	ssettag $0x0;
	lr =	simm.s32 $0x1  }
0x2: {  	[smem:$0x3F91] =	sst lr;
	_ =	strace $0xD0000000  }
0x3: {  	_ = 	snop  }
0x4: {  	_ = 	snop  }
0x5: {  	_ = 	snop  }
0x6: {  	_ = 	snop  }
0x7: {  	_ = 	snop  }
__scs_overlays_trampoline_lowered:
0x8: {  	[smem:$0x3FA0] =	sst s0  }
0x9: {  	[smem:$0x3FA1] =	sst s1  }
0xa: {  	[smem:$0x3FA2] =	sst s2  }
0xb: {  	[smem:$0x3FA3] =	sst s3  }
0xc: {  	[smem:$0x3FA4] =	sst s4  }
0xd: {  	[smem:$0x3FA5] =	sst s5  }
0xe: {  	[smem:$0x3FA6] =	sst s6  }
0xf: {  	[smem:$0x3FA7] =	sst s7  }
0x10: {  	[smem:$0x3FA8] =	sst s8  }
0x11: {  	[smem:$0x3FA9] =	sst s9;
	s0 =	simm.s32 @!p0 $0x0  }
0x12: {  	s1 =	sld [smem:$0x3F8F];
	s0 =	simm.s32 @p0 $0x1  }
0x13: {  	[smem:$0x3FAA] =	sst s0;
	s0 =	simm.s32 @!p1 $0x0  }
0x14: {  	s2 =	sld [smem:$0x3F8E];
	s0 =	simm.s32 @p1 $0x1  }
0x15: {  	[smem:$0x3FAB] =	sst s0;
	s0 =	simm.s32 @!p2 $0x0  }
0x16: {  	s3 =	sld [smem:$0x3FDB];
	s0 =	simm.s32 @p2 $0x1  }
0x17: {  	s4 =	simm.s32 $0x1BF5;
	[smem:$0x3FAD] =	sst s0  }
0x18: {  	s0 =	sld [smem:$0x3F90];
	_ =	swait.ge [sflag:s4], $0x0  }
0x19: {  	s7 =	sld [smem:$0x3F91]  }
0x1a: {  	s8 =	sadd.s32 $0xFFFFE003, lr  }
0x1b: {  	s9 =	sadd.s32 $0xFFFFFEF7, lr;
	s5 =	simm.s32 $0xFFFFFFFF;
	p2 =	slt.u32 s8, $0xFFFFF086  }
0x1c: {  	p1 =	slt.u32 s9, $0xF7A;
	s5 =	simm.s32 @!p2 $0x0  }
0x1d: {  	s5 =	simm.s32 @p1 $0x1;
	p0 =	seq.s32 s7, s2  }
0x1e: {  	s7 =	smul.u32 @!p0 $0xF7A, s2;
	p2 =	seq.s32 @!p0 s5, $0x0  }
0x1f: {  	s9 =	smul.u32 $0xF7A, s1;
	s8 =	simm.s32 @!p0 $0x1BF5;
	p2 =	por !p2, p0  }
0x20: {  	[sflag:s8] =	ssyncset.s32 @!p0 $0xFFFFF086;
	s6 =	sadd.s32 @!p0 s3, s7;
	s7 =	simm.s32 @!p0 $0x108  }
0x21: {  	s3 =	sadd.s32 s3, s9;
	s6 =	sadd.s32 @!p0 $0x88, s6;
	s7 =	simm.s32 @p2 $0x1082  }
0x22: {  	[simem:s7], [sflag:s8] =	dma.local @!p0 [hbm:s6], $0xF7A  }
0x23: {  	s9 =	sor.u32 $0xD0000000, s2;
	s6 =	simm.s32 $0x108;
	_ =	swait.ge @!p0 [sflag:s8], $0x0  }
0x24: {  	s3 =	sadd.s32 $0x88, s3;
	s6 =	simm.s32 @!p1 $0x1082;
	[sflag:s4] =	ssyncset.s32 $0xFFFFF086  }
0x25: {  	[simem:s6], [sflag:s4] =	dma.local [hbm:s3], $0xF7A  }
0x26: {  	[smem:$0x3F91] =	sst s1;
	(tag) =	ssettag s2;
	_ =	strace s9  }
0x27: {  	s1 =	sld [smem:$0x3FA1]  }
0x28: {  	s2 =	sld [smem:$0x3FA2]  }
0x29: {  	s4 =	sld [smem:$0x3FA4]  }
0x2a: {  	p0 =	seq.s32 s5, $0x0;
	s5 =	sld [smem:$0x3FA5]  }
0x2b: {  	s6 =	sld [smem:$0x3FA6]  }
0x2c: {  	s7 =	sld [smem:$0x3FA7]  }
0x2d: {  	s3 =	simm.s32 $0x108;
	s8 =	sld [smem:$0x3FA8]  }
0x2e: {  	s3 =	simm.s32 @!p0 $0x1082;
	s9 =	sld [smem:$0x3FA9]  }
0x2f: {  	lr =	sadd.s32 s0, s3;
	s0 =	sld [smem:$0x3FA0]  }
0x30: {  	s3 =	sld [smem:$0x3FA3]  }
0x31: {  	[smem:$0x3FAC] =	sst s10  }
0x32: {  	s10 =	sld [smem:$0x3FAA];
	_ =	sdelay $0x3  }
0x33: {  	p0 =	seq.s32 s10, $0x1;
	s10 =	sld [smem:$0x3FAC];
	_ =	sdelay $0x3  }
0x34: {  	[smem:$0x3FAC] =	sst s10  }
0x35: {  	s10 =	sld [smem:$0x3FAB];
	_ =	sdelay $0x3  }
0x36: {  	p1 =	seq.s32 s10, $0x1;
	s10 =	sld [smem:$0x3FAC];
	_ =	sdelay $0x3  }
0x37: {  	[smem:$0x3FAC] =	sst s10  }
0x38: {  	s10 =	sld [smem:$0x3FAD]  }
0x39: {  	_ = 	snop;
	(pc) =	sbr.ind lr, $3  }
0x3a: {  	_ = 	snop  }
0x3b: {  	_ = 	snop  }
0x3c: {  	p2 =	seq.s32 s10, $0x1;
	s10 =	sld [smem:$0x3FAC]  }
0x3d: {  	_ =	shalt  }
0x3e: {  	_ =	shalt  }
0x3f: {  	_ =	shalt  }
0x40: {  	_ =	shalt  }
0x41: {  	_ =	shalt  }
0x42: {  	_ =	shalt  }
0x43: {  	_ =	shalt  }
0x44: {  	_ =	shalt  }
0x45: {  	_ =	shalt  }
0x46: {  	_ =	shalt  }
0x47: {  	_ =	shalt  }
0x48: {  	_ =	shalt  }
0x49: {  	_ =	shalt  }
0x4a: {  	_ =	shalt  }
0x4b: {  	_ =	shalt  }
0x4c: {  	_ =	shalt  }
0x4d: {  	_ =	shalt  }
0x4e: {  	_ =	shalt  }
0x4f: {  	_ =	shalt  }
0x50: {  	_ =	shalt  }
0x51: {  	_ =	shalt  }
0x52: {  	_ =	shalt  }
0x53: {  	_ =	shalt  }
0x54: {  	_ =	shalt  }
0x55: {  	_ =	shalt  }
0x56: {  	_ =	shalt  }
0x57: {  	_ =	shalt  }
0x58: {  	_ =	shalt  }
0x59: {  	_ =	shalt  }
0x5a: {  	_ =	shalt  }
0x5b: {  	_ =	shalt  }
0x5c: {  	_ =	shalt  }
0x5d: {  	_ =	shalt  }
0x5e: {  	_ =	shalt  }
0x5f: {  	_ =	shalt  }
0x60: {  	_ =	shalt  }
0x61: {  	_ =	shalt  }
0x62: {  	_ =	shalt  }
0x63: {  	_ =	shalt  }
0x64: {  	_ =	shalt  }
0x65: {  	_ =	shalt  }
0x66: {  	_ =	shalt  }
0x67: {  	_ =	shalt  }
0x68: {  	_ =	shalt  }
0x69: {  	_ =	shalt  }
0x6a: {  	_ =	shalt  }
0x6b: {  	_ =	shalt  }
0x6c: {  	_ =	shalt  }
0x6d: {  	_ =	shalt  }
0x6e: {  	_ =	shalt  }
0x6f: {  	_ =	shalt  }
0x70: {  	_ =	shalt  }
0x71: {  	_ =	shalt  }
0x72: {  	_ =	shalt  }
0x73: {  	_ =	shalt  }
0x74: {  	_ =	shalt  }
0x75: {  	_ =	shalt  }
0x76: {  	_ =	shalt  }
0x77: {  	_ =	shalt  }
0x78: {  	_ =	shalt  }
0x79: {  	_ =	shalt  }
0x7a: {  	_ =	shalt  }
0x7b: {  	_ =	shalt  }
0x7c: {  	_ =	shalt  }
0x7d: {  	_ =	shalt  }
0x7e: {  	_ =	shalt  }
0x7f: {  	_ =	shalt  }
0x80: {  	_ =	shalt  }
0x81: {  	_ =	shalt  }
0x82: {  	_ =	shalt  }
0x83: {  	_ =	shalt  }
0x84: {  	_ =	shalt  }
0x85: {  	_ =	shalt  }
0x86: {  	_ =	shalt  }
0x87: {  	_ =	shalt  }
.Lfunc_end0:
.L_simem_size_0:
called_computation.1_lowered:
.L_overlay_start_0:
0x88: {  	s2 =	sld [smem:$0x3FD9]  }
0x89: {  	s3 =	sld [smem:$0x3FFE];
	_ =	sdelay $0x1  }
0x8a: {  	s1 =	srdreg.scid  }
0x8b: {  	s0 =	sand.u32 $0x1, s1  }
0x8c: {  	s16 =	sshll.u32 s0, $0xA;
	s2 =	sadd.s32 s3, s2  }
0x8d: {  	s2 =	sadd.s32 s2, s16  }
0x8e: {  	[smem:$0x3FB8] =	sst s2  }
0x8f: {  	_ = 	snop  }
0x90: {  	(tm) =	ssettm $0x1  }
0x91: {  	s17 =	sld [smem:$0x3FFB];
	_ =	sdelay $0x3  }
0x92: {  	_ =	strace s17  }
0x93: {  	s2 =	sld [smem:$0x3FFC];
	_ =	sdelay $0x3  }
0x94: {  	_ =	strace s2  }
0x95: {  	s2 =	sld [smem:$0x3FFD];
	_ =	sdelay $0x3  }
0x96: {  	_ =	strace s2  }
0x97: {  	_ =	strace $0x8FFFFFFF  }
0x98: {  	s18 =	sld [smem:$0x3FDB];
	_ =	sdelay $0x1  }
0x99: {  	s19 =	simm.s32 $_scs_section_size  }
0x9a: {  	s4 =	simm.s32 $_size__tile_overlayer_lowered;
	s5 =	simm.s32 $_tile_overlayer_lowered  }
0x9b: {  	s22 =	simm.s32 $0x1BFF;
	s21 =	sshll.u32 s5, $0x1;
	s2 =	sadd.s32 s19, s18  }
0x9c: {  	s6 =	simm.s32 $0x0;
	s20 =	sshll.u32 s4, $0x1;
	s4 =	sadd.s32 s21, s2  }
0x9d: {  	[timem:s6], [sflag:s22] =	dma.local [hbm:s4], s20  }
0x9e: {  	_ =	swait.ge [sflag:s22], s20  }
0x9f: {  	s3 =	ssub.s32 $0x0, s20;
	[sflag:s22] =	ssyncset.done $0x0  }
0xa0: {  	[sflag:s22] =	ssyncadd.s32 s3;
	_ =	sdelay $0x1  }
0xa1: {  	s23 =	simm.s32 $0x1B8B  }
0xa2: {  	_ =	swait.ge [sflag:s23], $0x1  }
0xa3: {  	[sflag:s23] =	ssyncset.done $0x0  }
0xa4: {  	s25 =	simm.s32 $0x1B8E;
	s24 =	sld [smem:$0x3FFE];
	[sflag:s23] =	ssyncadd.s32 $0xFFFFFFFF  }
0xa5: {  	s26 =	simm.s32 $execute0_lowered;
	[smem:$0x3FD2] =	sst s25  }
0xa6: {  	s4 =	sshll.u32 s26, $0x1;
	_ =	strace $0x80000049;
	[dreg:$0x1] =	wrdreg $0xFFFFFFFF  }
0xa7: {  	s28 =	simm.s32 $_size_execute0_lowered;
	s2 =	sadd.s32 s2, s4;
	[dreg:$0x0] =	wrdreg $0x0  }
0xa8: {  	s4 =	sshll.u32 s28, $0x1;
	[dreg:$0x2] =	wrdreg s2  }
0xa9: {  	[dreg:$0x3] =	wrdreg s4  }
0xaa: {  	[dreg:$0x4] =	wrdreg $0xC0  }
0xab: {  	_ =	task [dreg:s6], $0x5FFFF  }
0xac: {  	[dreg:$0x1] =	wrdreg $0xFFFFFFFF  }
0xad: {  	[dreg:$0x0] =	wrdreg $0x60  }
0xae: {  	[dreg:$0x2] =	wrdreg s24  }
0xaf: {  	[dreg:$0x3] =	wrdreg $0x41000  }
0xb0: {  	[dreg:$0x4] =	wrdreg $0x9  }
0xb1: {  	_ =	task.clear_ibuf [dreg:s6], $0x5FFFF;
	_ =	strace $0x90000049  }
0xb2: {  	s29 =	simm.s32 $0x9;
	_ =	strace $0x8000004B  }
0xb3: {  	_ =	swait.ge [sflag:s29], $0x1  }
0xb4: {  	[sflag:s29] =	ssyncadd.s32 $0xFFFFFFFF  }
0xb5: {  	_ =	strace $0x9000004B  }
0xb6: {  	_ =	sfence  }
0xb7: {  	s30 =	sld [smem:$0x0];
	_ =	sdelay $0x2  }
0xb8: {  	s31 =	sshll.u32 s1, $0xD;
	s1 =	sshrl.u32 s1, $0x2  }
0xb9: {  	s3 =	sand.u32 $0x4000, s31;
	s1 =	sadd.s32 s1, s30  }
0xba: {  	s0 =	sor.u32 s3, s0;
	s1 =	sshll.u32 s1, $0x11  }
0xbb: {  	s0 =	sor.u32 s1, s0  }
0xbc: {  	s0 =	sadd.s32 $0x8F2B, s0  }
0xbd: {  	[sflag:s0] =	ssyncadd.remote.s32 $0x1  }
0xbe: {  	_ =	sfence.sel $0xFFFF  }
0xbf: {  	[dreg:$0x0] =	wrdreg $0xFFFFFFFF;
	(pc) =	sbr.abs _section_cstart, $3  }
0xc0: {  	[dreg:$0x1] =	wrdreg $0xFFFFFFFF  }
0xc1: {  	_ =	task.clear_ibuf [dreg:s6], $0x2FFFF;
	_ =	strace $0x9FFFFFFF  }
0xc2: {  	(tm) =	ssettm $0x7FFFFFFF  }
0xc3: {  	_ =	shalt  }
tec
execute0_lowered:
.L_overlay_start_1:
0x0: {  	(tag) =	ssettag $0x1  }
0x1: {  	s5 =	rddreg [dreg:$0x0];
	s0 =	srdreg.scid  }
0x2: {  	s2 =	rddreg [dreg:$0x1];
	s1 =	stileid.u32;
	s3 =	simm.s32 $0x0  }
0x3: {  	s15 =	simm.s32 $0x2;
	s16 =	simm.s32 $0x80;
	s7 =	smul.u32 $0x14000, s1  }
0x4: {  	s17 =	simm.s32 $0x1;
	s20 =	simm.s32 $0x0;
	s8 =	smul.u32 $0x9E0, s1  }
0x5: {  	s6 =	sand.u32 $0x1, s0;
	s0 =	rddreg [dreg:$0x2];
	s9 =	smul.u32 $0x50000, s1  }
0x6: {  	[smem:$0x7FF] =	sst s3;
	s18 =	sshll.u32 s1, $0x6;
	s4 =	smul.u32 $0x140000, s6  }
0x7: {  	_ =	strace $0x8000004A;
	s29 =	ssub.s32 $0x2, s6;
	s12 =	smul.u32 $0x4F0, s6  }
0x8: {  	s18 =	sor.u32 $0x1C02, s18;
	s10 =	sadd.s32 s8, s5;
	s30 =	sshrl.u32 s9, $0x2  }
0x9: {  	s31 =	sshrl.u32 s29, $0x1;
	s7 =	sadd.s32 s7, s4;
	s4 =	sadd.s32 $0x21200, s5  }
0xa: {  	s13 =	ssub.s32 s29, s31;
	s14 =	sadd.s32 s12, s10;
	s7 =	sshrl.u32 s7, $0x3  }
0xb: {  	s12 =	sadd.s32 $0x3600, s14;
	s11 =	sadd.s32 s7, s5;
	s5 =	sadd.s32 s30, s2  }
0xc: {  	s6 =	sadd.s32 $0x4000, s5;
	s7 =	sadd.s32 $0x8000, s5;
	s8 =	sadd.s32 $0xC000, s5  }
0xd: {  	s9 =	sadd.s32 $0x10000, s5;
	s10 =	sadd.s32 $0x49200, s11;
	s11 =	smax.u32 s13, $0x1  }
0xe: {  	v0 =	vimm.f32 $0.0e+00;
	s13 =	sadd.s32 $0x17400, s14;
	s14 =	simm.s32 $0x100;
	s19 =	sshrl.u32 s5, $0x3  }
.LBB2_1:
0xf: {  	s21 =	simm.s32 $0x0;
	s22 =	simm.s32 $0x200  }
.LBB2_2:
0x10: {  	p0 =	sne.s32 s22, $0xFE00;
	[tilespmem:s21+$0x170] =	vst v0  }
0x11: {  	[tilespmem:s21+$0x100] =	vst v0  }
0x12: {  	[tilespmem:s21+$0x110] =	vst v0  }
.Ltmp0:
0x13: {  	[tilespmem:s21+$0x120] =	vst v0;
	(pc) =	sbr.rel @p0 .LBB2_2-.Ltmp0, $4  }
0x14: {  	[tilespmem:s21+$0x130] =	vst v0  }
0x15: {  	[tilespmem:s21+$0x140] =	vst v0  }
0x16: {  	[tilespmem:s21+$0x150] =	vst v0  }
0x17: {  	[tilespmem:s21+$0x160] =	vst v0;
	s21 =	sshra.s32 s22, $0x2;
	s22 =	sadd.s32 $0x200, s22  }
0x18: {  	[tilespmem:s21+$0x170] =	vst v0  }
0x19: {  	[tilespmem:s21+$0x100] =	vst v0  }
0x1a: {  	[tilespmem:s21+$0x110] =	vst v0  }
0x1b: {  	[tilespmem:s21+$0x120] =	vst v0  }
0x1c: {  	[tilespmem:s21+$0x130] =	vst v0  }
0x1d: {  	[tilespmem:s21+$0x140] =	vst v0  }
0x1e: {  	[tilespmem:s21+$0x150] =	vst v0  }
0x1f: {  	[tilespmem:s21+$0x160] =	vst v0  }
0x20: {  	[spmem:s5] =	stream.linear.scatter [tilespmem:s14], [sflag:$0x2], $0x4000, $0x38;
	[tilespmem:$0x18100] =	vst v63  }
0x21: {  	_ =	swait.ge [sflag:s15], $0x4000  }
0x22: {  	[sflag:s15] =	ssyncset.done $0x0  }
0x23: {  	[sflag:s15] =	ssyncadd.s32 $0xFFFFC000  }
0x24: {  	[spmem:s6] =	stream.linear.scatter [tilespmem:s14], [sflag:$0x2], $0x4000, $0x38;
	[tilespmem:$0x18100] =	vst v63  }
0x25: {  	_ =	swait.ge [sflag:s15], $0x4000  }
0x26: {  	[sflag:s15] =	ssyncset.done $0x0  }
0x27: {  	[sflag:s15] =	ssyncadd.s32 $0xFFFFC000  }
0x28: {  	[spmem:s7] =	stream.linear.scatter [tilespmem:s14], [sflag:$0x2], $0x4000, $0x38;
	[tilespmem:$0x18100] =	vst v63  }
0x29: {  	_ =	swait.ge [sflag:s15], $0x4000  }
0x2a: {  	[sflag:s15] =	ssyncset.done $0x0  }
0x2b: {  	[sflag:s15] =	ssyncadd.s32 $0xFFFFC000  }
0x2c: {  	[spmem:s8] =	stream.linear.scatter [tilespmem:s14], [sflag:$0x2], $0x4000, $0x38;
	[tilespmem:$0x18100] =	vst v63  }
0x2d: {  	_ =	swait.ge [sflag:s15], $0x4000  }
0x2e: {  	[sflag:s15] =	ssyncset.done $0x0  }
0x2f: {  	[sflag:s15] =	ssyncadd.s32 $0xFFFFC000  }
0x30: {  	[spmem:s9] =	stream.linear.scatter [tilespmem:s14], [sflag:$0x2], $0x4000, $0x38;
	[tilespmem:$0x18100] =	vst v63  }
0x31: {  	_ =	swait.ge [sflag:s15], $0x4000  }
0x32: {  	[sflag:s15] =	ssyncset.done $0x0  }
0x33: {  	[sflag:s15] =	ssyncadd.s32 $0xFFFFC000  }
0x34: {  	s30 =	sadd.s32 $0x0, s13;
	[bflag:$0x0] =	sbarrier.arrive $0xFFFF  }
0x35: {  	[tilespmem:s3], [sflag:$0x2] =	stream.linear.gather [hbm4b:s30+s3], $0x80, $0x38;
	[tilespmem:$0x18100] =	vst v63  }
0x36: {  	_ =	swait.ge [sflag:s15], $0x80  }
0x37: {  	[sflag:s15] =	ssyncset.done $0x0  }
0x38: {  	s31 =	sadd.s32 $0x0, s12;
	[sflag:s15] =	ssyncadd.s32 $0xFFFFFF80  }
0x39: {  	[tilespmem:s16], [sflag:$0x2] =	stream.linear.gather [hbm4b:s31+s3], $0x80, $0x38;
	[tilespmem:$0x18100] =	vst v63  }
0x3a: {  	_ =	swait.ge [sflag:s15], $0x80  }
0x3b: {  	[sflag:s15] =	ssyncset.done $0x0  }
0x3c: {  	[sflag:s15] =	ssyncadd.s32 $0xFFFFFF80  }
0x3d: {  	[tilespmem:s14], [sflag:$0x1] =	stream.indirect.gather [hbm4b:s4+s16], $0x80, s3, s16, $0xb8;
	[tilespmem:$0x18100] =	vst v63  }
0x3e: {  	_ =	swait.ge [sflag:s17], $0x4000  }
0x3f: {  	[sflag:s17] =	ssyncset.done $0x0  }
0x40: {  	[sflag:s17] =	ssyncadd.s32 $0xFFFFC000  }
0x41: {  	[spmem:s2] =	stream.indirect.scatter.add.f32 [tilespmem:s14], [sflag:$0x2], $0x80, s16, s16, $0xb8;
	[tilespmem:$0x18100] =	vst v63  }
0x42: {  	_ =	swait.ge [sflag:s15], $0x4000  }
0x43: {  	s21 =	simm.s32 $0x10;
	s22 =	simm.s32 $0x20;
	[sflag:s15] =	ssyncset.done $0x0  }
.LBB2_4:
0x44: {  	s23 =	sadd.s32 s21, s13  }
0x45: {  	[sflag:s15] =	ssyncadd.s32 $0xFFFFC000;
	s24 =	smov.u32 s22;
	s25 =	sadd.s32 $0x10, s22  }
0x46: {  	[tilespmem:s3], [sflag:$0x2] =	stream.linear.gather [hbm4b:s23+s3], $0x80, $0x38;
	[tilespmem:$0x18100] =	vst v63  }
0x47: {  	p0 =	sne.s32 s22, $0x4E0;
	_ =	swait.ge [sflag:s15], $0x80  }
0x48: {  	[sflag:s15] =	ssyncset.done $0x0  }
0x49: {  	s22 =	sadd.s32 s21, s12;
	s21 =	smov.u32 s24;
	[sflag:s15] =	ssyncadd.s32 $0xFFFFFF80  }
0x4a: {  	[tilespmem:s16], [sflag:$0x2] =	stream.linear.gather [hbm4b:s22+s3], $0x80, $0x38;
	[tilespmem:$0x18100] =	vst v63  }
0x4b: {  	_ =	swait.ge [sflag:s15], $0x80  }
0x4c: {  	[sflag:s15] =	ssyncset.done $0x0  }
0x4d: {  	[sflag:s15] =	ssyncadd.s32 $0xFFFFFF80  }
0x4e: {  	[tilespmem:s14], [sflag:$0x1] =	stream.indirect.gather [hbm4b:s4+s16], $0x80, s3, s16, $0xb8;
	[tilespmem:$0x18100] =	vst v63  }
0x4f: {  	_ =	swait.ge [sflag:s17], $0x4000  }
.Ltmp1:
0x50: {  	[sflag:s17] =	ssyncset.done $0x0;
	(pc) =	sbr.rel @p0 .LBB2_4-.Ltmp1, $4  }
0x51: {  	[sflag:s17] =	ssyncadd.s32 $0xFFFFC000  }
0x52: {  	[spmem:s2] =	stream.indirect.scatter.add.f32 [tilespmem:s14], [sflag:$0x2], $0x80, s16, s16, $0xb8;
	[tilespmem:$0x18100] =	vst v63  }
0x53: {  	_ =	swait.ge [sflag:s15], $0x4000  }
0x54: {  	s22 =	smov.u32 s25;
	[sflag:s15] =	ssyncset.done $0x0  }
0x55: {  	s22 =	sadd.s32 s21, s13;
	[sflag:s15] =	ssyncadd.s32 $0xFFFFC000  }
0x56: {  	[tilespmem:s3], [sflag:$0x2] =	stream.linear.gather [hbm4b:s22+s3], $0x80, $0x38;
	[tilespmem:$0x18100] =	vst v63  }
0x57: {  	_ =	swait.ge [sflag:s15], $0x80  }
0x58: {  	[sflag:s15] =	ssyncset.done $0x0  }
0x59: {  	s31 =	sadd.s32 s21, s12;
	[sflag:s15] =	ssyncadd.s32 $0xFFFFFF80  }
0x5a: {  	[tilespmem:s16], [sflag:$0x2] =	stream.linear.gather [hbm4b:s31+s3], $0x80, $0x38;
	[tilespmem:$0x18100] =	vst v63  }
0x5b: {  	_ =	swait.ge [sflag:s15], $0x80  }
0x5c: {  	[sflag:s15] =	ssyncset.done $0x0  }
0x5d: {  	[sflag:s15] =	ssyncadd.s32 $0xFFFFFF80  }
0x5e: {  	[tilespmem:s14], [sflag:$0x1] =	stream.indirect.gather [hbm4b:s4+s16], $0x80, s3, s16, $0xb8;
	[tilespmem:$0x18100] =	vst v63  }
0x5f: {  	_ =	swait.ge [sflag:s17], $0x4000  }
0x60: {  	[sflag:s17] =	ssyncset.done $0x0  }
0x61: {  	[sflag:s17] =	ssyncadd.s32 $0xFFFFC000  }
0x62: {  	[spmem:s2] =	stream.indirect.scatter.add.f32 [tilespmem:s14], [sflag:$0x2], $0x80, s16, s16, $0xb8;
	[tilespmem:$0x18100] =	vst v63  }
0x63: {  	_ =	swait.ge [sflag:s15], $0x4000  }
0x64: {  	s20 =	sadd.s32 $0x1, s20;
	[sflag:s15] =	ssyncset.done $0x0  }
0x65: {  	p0 =	sne.s32 s20, s11;
	[sflag:s15] =	ssyncadd.s32 $0xFFFFC000  }
.Ltmp2:
0x66: {  	[bflag:$0x0] =	sbarrier.arrive $0xFFFF;
	(pc) =	sbr.rel @p0 .LBB2_1-.Ltmp2, $4  }
0x67: {  	[hbm:s10], [sflag:s18] =	dma.local [spmem:s19], $0x2800  }
0x68: {  	_ =	swait.ge [sflag:s15], $0x2800  }
0x69: {  	[sflag:s15] =	ssyncset.done $0x0  }
0x6a: {  	[sflag:s15] =	ssyncadd.s32 $0xFFFFD800  }
0x6b: {  	_ =	sfence.sel $0x180000  }
0x6c: {  	[bflag:$0x0] =	sbarrier.arrive $0xFFFF  }
0x6d: {  	p0 =	sne.s32 s1, $0x0;
	_ =	strace $0x9000004A  }
0x6e: {  	s0 =	sadd.s32 @!p0 $0x100000, s0;
	[bflag:$0x2] =	sbarrier.arrive $0xFFFF  }
0x6f: {  	[sflag:s0] =	ssyncadd.tile.s32 @!p0 $0x1;
	_ =	shalt  }
.Lfunc_end2:
_tile_overlayer_lowered:
.L_overlay_start_2:
0x70: {  	(tag) =	ssettag $0x2  }
0x71: {  	s0 =	rddreg [dreg:$0x0];
	s2 =	stileid.u32  }
0x72: {  	s1 =	rddreg [dreg:$0x1];
	p0 =	sne.s32 s2, $0x0  }
0x73: {  	s3 =	rddreg [dreg:$0x2];
	[bflag:$0x3] =	sbarrier.arrive $0xFFFF;
	s2 =	simm.s32 @!p0 $0x1C02  }
0x74: {  	[timem:s3], [sflag:s2] =	dma.local @!p0 [hbm:s0], s1  }
0x75: {  	s0 =	simm.s32 @!p0 $0x2  }
0x76: {  	_ =	swait.ge @!p0 [sflag:s0], s1  }
0x77: {  	s1 =	ssub.s32 @!p0 $0x0, s1;
	[sflag:s0] =	ssyncset.done @!p0 $0x0  }
0x78: {  	[sflag:s0] =	ssyncadd.s32 @!p0 s1  }
0x79: {  	[bflag:$0x3] =	sbarrier.arrive $0xFFFF  }
0x7a: {  	_ =	shalt  }

// kernel: kernel.14.cloned.1.call-start
scs
__scs_entry_jumppad:
0x0: {  	(pc) =	sbr.rel $0x88, $3  }
0x1: {  	(tag) =	ssettag $0x0;
	lr =	simm.s32 $0x1  }
0x2: {  	[smem:$0x3F91] =	sst lr;
	_ =	strace $0xD0000000  }
0x3: {  	_ = 	snop  }
0x4: {  	_ = 	snop  }
0x5: {  	_ = 	snop  }
0x6: {  	_ = 	snop  }
0x7: {  	_ = 	snop  }
__scs_overlays_trampoline_lowered:
0x8: {  	[smem:$0x3FA0] =	sst s0  }
0x9: {  	[smem:$0x3FA1] =	sst s1  }
0xa: {  	[smem:$0x3FA2] =	sst s2  }
0xb: {  	[smem:$0x3FA3] =	sst s3  }
0xc: {  	[smem:$0x3FA4] =	sst s4  }
0xd: {  	[smem:$0x3FA5] =	sst s5  }
0xe: {  	[smem:$0x3FA6] =	sst s6  }
0xf: {  	[smem:$0x3FA7] =	sst s7  }
0x10: {  	[smem:$0x3FA8] =	sst s8  }
0x11: {  	[smem:$0x3FA9] =	sst s9;
	s0 =	simm.s32 @!p0 $0x0  }
0x12: {  	s1 =	sld [smem:$0x3F8F];
	s0 =	simm.s32 @p0 $0x1  }
0x13: {  	[smem:$0x3FAA] =	sst s0;
	s0 =	simm.s32 @!p1 $0x0  }
0x14: {  	s2 =	sld [smem:$0x3F8E];
	s0 =	simm.s32 @p1 $0x1  }
0x15: {  	[smem:$0x3FAB] =	sst s0;
	s0 =	simm.s32 @!p2 $0x0  }
0x16: {  	s3 =	sld [smem:$0x3FDB];
	s0 =	simm.s32 @p2 $0x1  }
0x17: {  	s4 =	simm.s32 $0x1BF5;
	[smem:$0x3FAD] =	sst s0  }
0x18: {  	s0 =	sld [smem:$0x3F90];
	_ =	swait.ge [sflag:s4], $0x0  }
0x19: {  	s7 =	sld [smem:$0x3F91]  }
0x1a: {  	s8 =	sadd.s32 $0xFFFFE003, lr  }
0x1b: {  	s9 =	sadd.s32 $0xFFFFFEF7, lr;
	s5 =	simm.s32 $0xFFFFFFFF;
	p2 =	slt.u32 s8, $0xFFFFF086  }
0x1c: {  	p1 =	slt.u32 s9, $0xF7A;
	s5 =	simm.s32 @!p2 $0x0  }
0x1d: {  	s5 =	simm.s32 @p1 $0x1;
	p0 =	seq.s32 s7, s2  }
0x1e: {  	s7 =	smul.u32 @!p0 $0xF7A, s2;
	p2 =	seq.s32 @!p0 s5, $0x0  }
0x1f: {  	s9 =	smul.u32 $0xF7A, s1;
	s8 =	simm.s32 @!p0 $0x1BF5;
	p2 =	por !p2, p0  }
0x20: {  	[sflag:s8] =	ssyncset.s32 @!p0 $0xFFFFF086;
	s6 =	sadd.s32 @!p0 s3, s7;
	s7 =	simm.s32 @!p0 $0x108  }
0x21: {  	s3 =	sadd.s32 s3, s9;
	s6 =	sadd.s32 @!p0 $0x88, s6;
	s7 =	simm.s32 @p2 $0x1082  }
0x22: {  	[simem:s7], [sflag:s8] =	dma.local @!p0 [hbm:s6], $0xF7A  }
0x23: {  	s9 =	sor.u32 $0xD0000000, s2;
	s6 =	simm.s32 $0x108;
	_ =	swait.ge @!p0 [sflag:s8], $0x0  }
0x24: {  	s3 =	sadd.s32 $0x88, s3;
	s6 =	simm.s32 @!p1 $0x1082;
	[sflag:s4] =	ssyncset.s32 $0xFFFFF086  }
0x25: {  	[simem:s6], [sflag:s4] =	dma.local [hbm:s3], $0xF7A  }
0x26: {  	[smem:$0x3F91] =	sst s1;
	(tag) =	ssettag s2;
	_ =	strace s9  }
0x27: {  	s1 =	sld [smem:$0x3FA1]  }
0x28: {  	s2 =	sld [smem:$0x3FA2]  }
0x29: {  	s4 =	sld [smem:$0x3FA4]  }
0x2a: {  	p0 =	seq.s32 s5, $0x0;
	s5 =	sld [smem:$0x3FA5]  }
0x2b: {  	s6 =	sld [smem:$0x3FA6]  }
0x2c: {  	s7 =	sld [smem:$0x3FA7]  }
0x2d: {  	s3 =	simm.s32 $0x108;
	s8 =	sld [smem:$0x3FA8]  }
0x2e: {  	s3 =	simm.s32 @!p0 $0x1082;
	s9 =	sld [smem:$0x3FA9]  }
0x2f: {  	lr =	sadd.s32 s0, s3;
	s0 =	sld [smem:$0x3FA0]  }
0x30: {  	s3 =	sld [smem:$0x3FA3]  }
0x31: {  	[smem:$0x3FAC] =	sst s10  }
0x32: {  	s10 =	sld [smem:$0x3FAA];
	_ =	sdelay $0x3  }
0x33: {  	p0 =	seq.s32 s10, $0x1;
	s10 =	sld [smem:$0x3FAC];
	_ =	sdelay $0x3  }
0x34: {  	[smem:$0x3FAC] =	sst s10  }
0x35: {  	s10 =	sld [smem:$0x3FAB];
	_ =	sdelay $0x3  }
0x36: {  	p1 =	seq.s32 s10, $0x1;
	s10 =	sld [smem:$0x3FAC];
	_ =	sdelay $0x3  }
0x37: {  	[smem:$0x3FAC] =	sst s10  }
0x38: {  	s10 =	sld [smem:$0x3FAD]  }
0x39: {  	_ = 	snop;
	(pc) =	sbr.ind lr, $3  }
0x3a: {  	_ = 	snop  }
0x3b: {  	_ = 	snop  }
0x3c: {  	p2 =	seq.s32 s10, $0x1;
	s10 =	sld [smem:$0x3FAC]  }
0x3d: {  	_ =	shalt  }
0x3e: {  	_ =	shalt  }
0x3f: {  	_ =	shalt  }
0x40: {  	_ =	shalt  }
0x41: {  	_ =	shalt  }
0x42: {  	_ =	shalt  }
0x43: {  	_ =	shalt  }
0x44: {  	_ =	shalt  }
0x45: {  	_ =	shalt  }
0x46: {  	_ =	shalt  }
0x47: {  	_ =	shalt  }
0x48: {  	_ =	shalt  }
0x49: {  	_ =	shalt  }
0x4a: {  	_ =	shalt  }
0x4b: {  	_ =	shalt  }
0x4c: {  	_ =	shalt  }
0x4d: {  	_ =	shalt  }
0x4e: {  	_ =	shalt  }
0x4f: {  	_ =	shalt  }
0x50: {  	_ =	shalt  }
0x51: {  	_ =	shalt  }
0x52: {  	_ =	shalt  }
0x53: {  	_ =	shalt  }
0x54: {  	_ =	shalt  }
0x55: {  	_ =	shalt  }
0x56: {  	_ =	shalt  }
0x57: {  	_ =	shalt  }
0x58: {  	_ =	shalt  }
0x59: {  	_ =	shalt  }
0x5a: {  	_ =	shalt  }
0x5b: {  	_ =	shalt  }
0x5c: {  	_ =	shalt  }
0x5d: {  	_ =	shalt  }
0x5e: {  	_ =	shalt  }
0x5f: {  	_ =	shalt  }
0x60: {  	_ =	shalt  }
0x61: {  	_ =	shalt  }
0x62: {  	_ =	shalt  }
0x63: {  	_ =	shalt  }
0x64: {  	_ =	shalt  }
0x65: {  	_ =	shalt  }
0x66: {  	_ =	shalt  }
0x67: {  	_ =	shalt  }
0x68: {  	_ =	shalt  }
0x69: {  	_ =	shalt  }
0x6a: {  	_ =	shalt  }
0x6b: {  	_ =	shalt  }
0x6c: {  	_ =	shalt  }
0x6d: {  	_ =	shalt  }
0x6e: {  	_ =	shalt  }
0x6f: {  	_ =	shalt  }
0x70: {  	_ =	shalt  }
0x71: {  	_ =	shalt  }
0x72: {  	_ =	shalt  }
0x73: {  	_ =	shalt  }
0x74: {  	_ =	shalt  }
0x75: {  	_ =	shalt  }
0x76: {  	_ =	shalt  }
0x77: {  	_ =	shalt  }
0x78: {  	_ =	shalt  }
0x79: {  	_ =	shalt  }
0x7a: {  	_ =	shalt  }
0x7b: {  	_ =	shalt  }
0x7c: {  	_ =	shalt  }
0x7d: {  	_ =	shalt  }
0x7e: {  	_ =	shalt  }
0x7f: {  	_ =	shalt  }
0x80: {  	_ =	shalt  }
0x81: {  	_ =	shalt  }
0x82: {  	_ =	shalt  }
0x83: {  	_ =	shalt  }
0x84: {  	_ =	shalt  }
0x85: {  	_ =	shalt  }
0x86: {  	_ =	shalt  }
0x87: {  	_ =	shalt  }
.Lfunc_end0:
.L_simem_size_0:
called_computation.2_lowered:
.L_overlay_start_0:
0x88: {  	s2 =	sld [smem:$0x3FD9]  }
0x89: {  	s3 =	sld [smem:$0x3FFE];
	_ =	sdelay $0x1  }
0x8a: {  	s1 =	srdreg.scid  }
0x8b: {  	s0 =	sand.u32 $0x1, s1  }
0x8c: {  	s16 =	sshll.u32 s0, $0xA;
	s2 =	sadd.s32 s3, s2  }
0x8d: {  	s2 =	sadd.s32 s2, s16  }
0x8e: {  	[smem:$0x3FB8] =	sst s2  }
0x8f: {  	_ = 	snop  }
0x90: {  	(tm) =	ssettm $0x1  }
0x91: {  	s17 =	sld [smem:$0x3FFB];
	_ =	sdelay $0x3  }
0x92: {  	_ =	strace s17  }
0x93: {  	s2 =	sld [smem:$0x3FFC];
	_ =	sdelay $0x3  }
0x94: {  	_ =	strace s2  }
0x95: {  	s2 =	sld [smem:$0x3FFD];
	_ =	sdelay $0x3  }
0x96: {  	_ =	strace s2  }
0x97: {  	_ =	strace $0x8FFFFFFF  }
0x98: {  	s18 =	sld [smem:$0x3FDB];
	_ =	sdelay $0x1  }
0x99: {  	s19 =	simm.s32 $_scs_section_size  }
0x9a: {  	s4 =	simm.s32 $_size__tile_overlayer_lowered;
	s5 =	simm.s32 $_tile_overlayer_lowered  }
0x9b: {  	s22 =	simm.s32 $0x1BFF;
	s21 =	sshll.u32 s5, $0x1;
	s2 =	sadd.s32 s19, s18  }
0x9c: {  	s6 =	simm.s32 $0x0;
	s20 =	sshll.u32 s4, $0x1;
	s4 =	sadd.s32 s21, s2  }
0x9d: {  	[timem:s6], [sflag:s22] =	dma.local [hbm:s4], s20  }
0x9e: {  	_ =	swait.ge [sflag:s22], s20  }
0x9f: {  	s3 =	ssub.s32 $0x0, s20;
	[sflag:s22] =	ssyncset.done $0x0  }
0xa0: {  	[sflag:s22] =	ssyncadd.s32 s3;
	_ =	sdelay $0x1  }
0xa1: {  	s23 =	simm.s32 $0x1B8B  }
0xa2: {  	_ =	swait.ge [sflag:s23], $0x1  }
0xa3: {  	[sflag:s23] =	ssyncset.done $0x0  }
0xa4: {  	s25 =	simm.s32 $0x1B8E;
	s24 =	sld [smem:$0x3FFE];
	[sflag:s23] =	ssyncadd.s32 $0xFFFFFFFF  }
0xa5: {  	s26 =	simm.s32 $execute0_lowered;
	[smem:$0x3FD2] =	sst s25  }
0xa6: {  	s4 =	sshll.u32 s26, $0x1;
	_ =	strace $0x8000004C;
	[dreg:$0x1] =	wrdreg $0xFFFFFFFF  }
0xa7: {  	s28 =	simm.s32 $_size_execute0_lowered;
	s2 =	sadd.s32 s2, s4;
	[dreg:$0x0] =	wrdreg $0x0  }
0xa8: {  	s4 =	sshll.u32 s28, $0x1;
	[dreg:$0x2] =	wrdreg s2  }
0xa9: {  	[dreg:$0x3] =	wrdreg s4  }
0xaa: {  	[dreg:$0x4] =	wrdreg $0xC0  }
0xab: {  	_ =	task [dreg:s6], $0x5FFFF  }
0xac: {  	[dreg:$0x1] =	wrdreg $0xFFFFFFFF  }
0xad: {  	[dreg:$0x0] =	wrdreg $0x60  }
0xae: {  	[dreg:$0x2] =	wrdreg s24  }
0xaf: {  	[dreg:$0x3] =	wrdreg $0x41000  }
0xb0: {  	[dreg:$0x4] =	wrdreg $0x9  }
0xb1: {  	_ =	task.clear_ibuf [dreg:s6], $0x5FFFF;
	_ =	strace $0x9000004C  }
0xb2: {  	s29 =	simm.s32 $0x9;
	_ =	strace $0x8000004E  }
0xb3: {  	_ =	swait.ge [sflag:s29], $0x1  }
0xb4: {  	[sflag:s29] =	ssyncadd.s32 $0xFFFFFFFF  }
0xb5: {  	_ =	strace $0x9000004E  }
0xb6: {  	_ =	sfence  }
0xb7: {  	s30 =	sld [smem:$0x0];
	_ =	sdelay $0x2  }
0xb8: {  	s31 =	sshll.u32 s1, $0xD;
	s1 =	sshrl.u32 s1, $0x2  }
0xb9: {  	s3 =	sand.u32 $0x4000, s31;
	s1 =	sadd.s32 s1, s30  }
0xba: {  	s0 =	sor.u32 s3, s0;
	s1 =	sshll.u32 s1, $0x11  }
0xbb: {  	s0 =	sor.u32 s1, s0  }
0xbc: {  	s0 =	sadd.s32 $0x8F2B, s0  }
0xbd: {  	[sflag:s0] =	ssyncadd.remote.s32 $0x1  }
0xbe: {  	_ =	sfence.sel $0xFFFF  }
0xbf: {  	[dreg:$0x0] =	wrdreg $0xFFFFFFFF;
	(pc) =	sbr.abs _section_cstart, $3  }
0xc0: {  	[dreg:$0x1] =	wrdreg $0xFFFFFFFF  }
0xc1: {  	_ =	task.clear_ibuf [dreg:s6], $0x2FFFF;
	_ =	strace $0x9FFFFFFF  }
0xc2: {  	(tm) =	ssettm $0x7FFFFFFF  }
0xc3: {  	_ =	shalt  }
tec
execute0_lowered:
.L_overlay_start_1:
0x0: {  	(tag) =	ssettag $0x1  }
0x1: {  	s5 =	rddreg [dreg:$0x0];
	s0 =	srdreg.scid  }
0x2: {  	s2 =	rddreg [dreg:$0x1];
	s1 =	stileid.u32;
	s3 =	simm.s32 $0x0  }
0x3: {  	s15 =	simm.s32 $0x2;
	s16 =	simm.s32 $0x80;
	s7 =	smul.u32 $0x14000, s1  }
0x4: {  	s17 =	simm.s32 $0x1;
	s20 =	simm.s32 $0x0;
	s8 =	smul.u32 $0x9E0, s1  }
0x5: {  	s6 =	sand.u32 $0x1, s0;
	s0 =	rddreg [dreg:$0x2];
	s9 =	smul.u32 $0x50000, s1  }
0x6: {  	[smem:$0x7FF] =	sst s3;
	s18 =	sshll.u32 s1, $0x6;
	s4 =	smul.u32 $0x140000, s6  }
0x7: {  	_ =	strace $0x8000004D;
	s29 =	ssub.s32 $0x2, s6;
	s12 =	smul.u32 $0x4F0, s6  }
0x8: {  	s18 =	sor.u32 $0x1C02, s18;
	s10 =	sadd.s32 s8, s5;
	s30 =	sshrl.u32 s9, $0x2  }
0x9: {  	s31 =	sshrl.u32 s29, $0x1;
	s7 =	sadd.s32 s7, s4;
	s4 =	sadd.s32 $0x21200, s5  }
0xa: {  	s13 =	ssub.s32 s29, s31;
	s14 =	sadd.s32 s12, s10;
	s7 =	sshrl.u32 s7, $0x3  }
0xb: {  	s12 =	sadd.s32 $0x3600, s14;
	s11 =	sadd.s32 s7, s5;
	s5 =	sadd.s32 s30, s2  }
0xc: {  	s6 =	sadd.s32 $0x4000, s5;
	s7 =	sadd.s32 $0x8000, s5;
	s8 =	sadd.s32 $0xC000, s5  }
0xd: {  	s9 =	sadd.s32 $0x10000, s5;
	s10 =	sadd.s32 $0x49200, s11;
	s11 =	smax.u32 s13, $0x1  }
0xe: {  	v0 =	vimm.f32 $0.0e+00;
	s13 =	sadd.s32 $0x17400, s14;
	s14 =	simm.s32 $0x100;
	s19 =	sshrl.u32 s5, $0x3  }
.LBB2_1:
0xf: {  	s21 =	simm.s32 $0x0;
	s22 =	simm.s32 $0x200  }
.LBB2_2:
0x10: {  	p0 =	sne.s32 s22, $0xFE00;
	[tilespmem:s21+$0x170] =	vst v0  }
0x11: {  	[tilespmem:s21+$0x100] =	vst v0  }
0x12: {  	[tilespmem:s21+$0x110] =	vst v0  }
.Ltmp0:
0x13: {  	[tilespmem:s21+$0x120] =	vst v0;
	(pc) =	sbr.rel @p0 .LBB2_2-.Ltmp0, $4  }
0x14: {  	[tilespmem:s21+$0x130] =	vst v0  }
0x15: {  	[tilespmem:s21+$0x140] =	vst v0  }
0x16: {  	[tilespmem:s21+$0x150] =	vst v0  }
0x17: {  	[tilespmem:s21+$0x160] =	vst v0;
	s21 =	sshra.s32 s22, $0x2;
	s22 =	sadd.s32 $0x200, s22  }
0x18: {  	[tilespmem:s21+$0x170] =	vst v0  }
0x19: {  	[tilespmem:s21+$0x100] =	vst v0  }
0x1a: {  	[tilespmem:s21+$0x110] =	vst v0  }
0x1b: {  	[tilespmem:s21+$0x120] =	vst v0  }
0x1c: {  	[tilespmem:s21+$0x130] =	vst v0  }
0x1d: {  	[tilespmem:s21+$0x140] =	vst v0  }
0x1e: {  	[tilespmem:s21+$0x150] =	vst v0  }
0x1f: {  	[tilespmem:s21+$0x160] =	vst v0  }
0x20: {  	[spmem:s5] =	stream.linear.scatter [tilespmem:s14], [sflag:$0x2], $0x4000, $0x38;
	[tilespmem:$0x18100] =	vst v63  }
0x21: {  	_ =	swait.ge [sflag:s15], $0x4000  }
0x22: {  	[sflag:s15] =	ssyncset.done $0x0  }
0x23: {  	[sflag:s15] =	ssyncadd.s32 $0xFFFFC000  }
0x24: {  	[spmem:s6] =	stream.linear.scatter [tilespmem:s14], [sflag:$0x2], $0x4000, $0x38;
	[tilespmem:$0x18100] =	vst v63  }
0x25: {  	_ =	swait.ge [sflag:s15], $0x4000  }
0x26: {  	[sflag:s15] =	ssyncset.done $0x0  }
0x27: {  	[sflag:s15] =	ssyncadd.s32 $0xFFFFC000  }
0x28: {  	[spmem:s7] =	stream.linear.scatter [tilespmem:s14], [sflag:$0x2], $0x4000, $0x38;
	[tilespmem:$0x18100] =	vst v63  }
0x29: {  	_ =	swait.ge [sflag:s15], $0x4000  }
0x2a: {  	[sflag:s15] =	ssyncset.done $0x0  }
0x2b: {  	[sflag:s15] =	ssyncadd.s32 $0xFFFFC000  }
0x2c: {  	[spmem:s8] =	stream.linear.scatter [tilespmem:s14], [sflag:$0x2], $0x4000, $0x38;
	[tilespmem:$0x18100] =	vst v63  }
0x2d: {  	_ =	swait.ge [sflag:s15], $0x4000  }
0x2e: {  	[sflag:s15] =	ssyncset.done $0x0  }
0x2f: {  	[sflag:s15] =	ssyncadd.s32 $0xFFFFC000  }
0x30: {  	[spmem:s9] =	stream.linear.scatter [tilespmem:s14], [sflag:$0x2], $0x4000, $0x38;
	[tilespmem:$0x18100] =	vst v63  }
0x31: {  	_ =	swait.ge [sflag:s15], $0x4000  }
0x32: {  	[sflag:s15] =	ssyncset.done $0x0  }
0x33: {  	[sflag:s15] =	ssyncadd.s32 $0xFFFFC000  }
0x34: {  	s30 =	sadd.s32 $0x0, s13;
	[bflag:$0x0] =	sbarrier.arrive $0xFFFF  }
0x35: {  	[tilespmem:s3], [sflag:$0x2] =	stream.linear.gather [hbm4b:s30+s3], $0x80, $0x38;
	[tilespmem:$0x18100] =	vst v63  }
0x36: {  	_ =	swait.ge [sflag:s15], $0x80  }
0x37: {  	[sflag:s15] =	ssyncset.done $0x0  }
0x38: {  	s31 =	sadd.s32 $0x0, s12;
	[sflag:s15] =	ssyncadd.s32 $0xFFFFFF80  }
0x39: {  	[tilespmem:s16], [sflag:$0x2] =	stream.linear.gather [hbm4b:s31+s3], $0x80, $0x38;
	[tilespmem:$0x18100] =	vst v63  }
0x3a: {  	_ =	swait.ge [sflag:s15], $0x80  }
0x3b: {  	[sflag:s15] =	ssyncset.done $0x0  }
0x3c: {  	[sflag:s15] =	ssyncadd.s32 $0xFFFFFF80  }
0x3d: {  	[tilespmem:s14], [sflag:$0x1] =	stream.indirect.gather [hbm4b:s4+s16], $0x80, s3, s16, $0xb8;
	[tilespmem:$0x18100] =	vst v63  }
0x3e: {  	_ =	swait.ge [sflag:s17], $0x4000  }
0x3f: {  	[sflag:s17] =	ssyncset.done $0x0  }
0x40: {  	[sflag:s17] =	ssyncadd.s32 $0xFFFFC000  }
0x41: {  	[spmem:s2] =	stream.indirect.scatter.add.f32 [tilespmem:s14], [sflag:$0x2], $0x80, s16, s16, $0xb8;
	[tilespmem:$0x18100] =	vst v63  }
0x42: {  	_ =	swait.ge [sflag:s15], $0x4000  }
0x43: {  	s21 =	simm.s32 $0x10;
	s22 =	simm.s32 $0x20;
	[sflag:s15] =	ssyncset.done $0x0  }
.LBB2_4:
0x44: {  	s23 =	sadd.s32 s21, s13  }
0x45: {  	[sflag:s15] =	ssyncadd.s32 $0xFFFFC000;
	s24 =	smov.u32 s22;
	s25 =	sadd.s32 $0x10, s22  }
0x46: {  	[tilespmem:s3], [sflag:$0x2] =	stream.linear.gather [hbm4b:s23+s3], $0x80, $0x38;
	[tilespmem:$0x18100] =	vst v63  }
0x47: {  	p0 =	sne.s32 s22, $0x4E0;
	_ =	swait.ge [sflag:s15], $0x80  }
0x48: {  	[sflag:s15] =	ssyncset.done $0x0  }
0x49: {  	s22 =	sadd.s32 s21, s12;
	s21 =	smov.u32 s24;
	[sflag:s15] =	ssyncadd.s32 $0xFFFFFF80  }
0x4a: {  	[tilespmem:s16], [sflag:$0x2] =	stream.linear.gather [hbm4b:s22+s3], $0x80, $0x38;
	[tilespmem:$0x18100] =	vst v63  }
0x4b: {  	_ =	swait.ge [sflag:s15], $0x80  }
0x4c: {  	[sflag:s15] =	ssyncset.done $0x0  }
0x4d: {  	[sflag:s15] =	ssyncadd.s32 $0xFFFFFF80  }
0x4e: {  	[tilespmem:s14], [sflag:$0x1] =	stream.indirect.gather [hbm4b:s4+s16], $0x80, s3, s16, $0xb8;
	[tilespmem:$0x18100] =	vst v63  }
0x4f: {  	_ =	swait.ge [sflag:s17], $0x4000  }
.Ltmp1:
0x50: {  	[sflag:s17] =	ssyncset.done $0x0;
	(pc) =	sbr.rel @p0 .LBB2_4-.Ltmp1, $4  }
0x51: {  	[sflag:s17] =	ssyncadd.s32 $0xFFFFC000  }
0x52: {  	[spmem:s2] =	stream.indirect.scatter.add.f32 [tilespmem:s14], [sflag:$0x2], $0x80, s16, s16, $0xb8;
	[tilespmem:$0x18100] =	vst v63  }
0x53: {  	_ =	swait.ge [sflag:s15], $0x4000  }
0x54: {  	s22 =	smov.u32 s25;
	[sflag:s15] =	ssyncset.done $0x0  }
0x55: {  	s22 =	sadd.s32 s21, s13;
	[sflag:s15] =	ssyncadd.s32 $0xFFFFC000  }
0x56: {  	[tilespmem:s3], [sflag:$0x2] =	stream.linear.gather [hbm4b:s22+s3], $0x80, $0x38;
	[tilespmem:$0x18100] =	vst v63  }
0x57: {  	_ =	swait.ge [sflag:s15], $0x80  }
0x58: {  	[sflag:s15] =	ssyncset.done $0x0  }
0x59: {  	s31 =	sadd.s32 s21, s12;
	[sflag:s15] =	ssyncadd.s32 $0xFFFFFF80  }
0x5a: {  	[tilespmem:s16], [sflag:$0x2] =	stream.linear.gather [hbm4b:s31+s3], $0x80, $0x38;
	[tilespmem:$0x18100] =	vst v63  }
0x5b: {  	_ =	swait.ge [sflag:s15], $0x80  }
0x5c: {  	[sflag:s15] =	ssyncset.done $0x0  }
0x5d: {  	[sflag:s15] =	ssyncadd.s32 $0xFFFFFF80  }
0x5e: {  	[tilespmem:s14], [sflag:$0x1] =	stream.indirect.gather [hbm4b:s4+s16], $0x80, s3, s16, $0xb8;
	[tilespmem:$0x18100] =	vst v63  }
0x5f: {  	_ =	swait.ge [sflag:s17], $0x4000  }
0x60: {  	[sflag:s17] =	ssyncset.done $0x0  }
0x61: {  	[sflag:s17] =	ssyncadd.s32 $0xFFFFC000  }
0x62: {  	[spmem:s2] =	stream.indirect.scatter.add.f32 [tilespmem:s14], [sflag:$0x2], $0x80, s16, s16, $0xb8;
	[tilespmem:$0x18100] =	vst v63  }
0x63: {  	_ =	swait.ge [sflag:s15], $0x4000  }
0x64: {  	s20 =	sadd.s32 $0x1, s20;
	[sflag:s15] =	ssyncset.done $0x0  }
0x65: {  	p0 =	sne.s32 s20, s11;
	[sflag:s15] =	ssyncadd.s32 $0xFFFFC000  }
.Ltmp2:
0x66: {  	[bflag:$0x0] =	sbarrier.arrive $0xFFFF;
	(pc) =	sbr.rel @p0 .LBB2_1-.Ltmp2, $4  }
0x67: {  	[hbm:s10], [sflag:s18] =	dma.local [spmem:s19], $0x2800  }
0x68: {  	_ =	swait.ge [sflag:s15], $0x2800  }
0x69: {  	[sflag:s15] =	ssyncset.done $0x0  }
0x6a: {  	[sflag:s15] =	ssyncadd.s32 $0xFFFFD800  }
0x6b: {  	_ =	sfence.sel $0x180000  }
0x6c: {  	[bflag:$0x0] =	sbarrier.arrive $0xFFFF  }
0x6d: {  	p0 =	sne.s32 s1, $0x0;
	_ =	strace $0x9000004D  }
0x6e: {  	s0 =	sadd.s32 @!p0 $0x100000, s0;
	[bflag:$0x2] =	sbarrier.arrive $0xFFFF  }
0x6f: {  	[sflag:s0] =	ssyncadd.tile.s32 @!p0 $0x1;
	_ =	shalt  }
.Lfunc_end2:
_tile_overlayer_lowered:
.L_overlay_start_2:
0x70: {  	(tag) =	ssettag $0x2  }
0x71: {  	s0 =	rddreg [dreg:$0x0];
	s2 =	stileid.u32  }
0x72: {  	s1 =	rddreg [dreg:$0x1];
	p0 =	sne.s32 s2, $0x0  }
0x73: {  	s3 =	rddreg [dreg:$0x2];
	[bflag:$0x3] =	sbarrier.arrive $0xFFFF;
	s2 =	simm.s32 @!p0 $0x1C02  }
0x74: {  	[timem:s3], [sflag:s2] =	dma.local @!p0 [hbm:s0], s1  }
0x75: {  	s0 =	simm.s32 @!p0 $0x2  }
0x76: {  	_ =	swait.ge @!p0 [sflag:s0], s1  }
0x77: {  	s1 =	ssub.s32 @!p0 $0x0, s1;
	[sflag:s0] =	ssyncset.done @!p0 $0x0  }
0x78: {  	[sflag:s0] =	ssyncadd.s32 @!p0 s1  }
0x79: {  	[bflag:$0x3] =	sbarrier.arrive $0xFFFF  }
0x7a: {  	_ =	shalt  }

// kernel: kernel.8.cloned.1.call-start
scs
__scs_entry_jumppad:
0x0: {  	(pc) =	sbr.rel $0x88, $3  }
0x1: {  	(tag) =	ssettag $0x0;
	lr =	simm.s32 $0x1  }
0x2: {  	[smem:$0x3F91] =	sst lr;
	_ =	strace $0xD0000000  }
0x3: {  	_ = 	snop  }
0x4: {  	_ = 	snop  }
0x5: {  	_ = 	snop  }
0x6: {  	_ = 	snop  }
0x7: {  	_ = 	snop  }
__scs_overlays_trampoline_lowered:
0x8: {  	[smem:$0x3FA0] =	sst s0  }
0x9: {  	[smem:$0x3FA1] =	sst s1  }
0xa: {  	[smem:$0x3FA2] =	sst s2  }
0xb: {  	[smem:$0x3FA3] =	sst s3  }
0xc: {  	[smem:$0x3FA4] =	sst s4  }
0xd: {  	[smem:$0x3FA5] =	sst s5  }
0xe: {  	[smem:$0x3FA6] =	sst s6  }
0xf: {  	[smem:$0x3FA7] =	sst s7  }
0x10: {  	[smem:$0x3FA8] =	sst s8  }
0x11: {  	[smem:$0x3FA9] =	sst s9;
	s0 =	simm.s32 @!p0 $0x0  }
0x12: {  	s1 =	sld [smem:$0x3F8F];
	s0 =	simm.s32 @p0 $0x1  }
0x13: {  	[smem:$0x3FAA] =	sst s0;
	s0 =	simm.s32 @!p1 $0x0  }
0x14: {  	s2 =	sld [smem:$0x3F8E];
	s0 =	simm.s32 @p1 $0x1  }
0x15: {  	[smem:$0x3FAB] =	sst s0;
	s0 =	simm.s32 @!p2 $0x0  }
0x16: {  	s3 =	sld [smem:$0x3FDB];
	s0 =	simm.s32 @p2 $0x1  }
0x17: {  	s4 =	simm.s32 $0x1BF5;
	[smem:$0x3FAD] =	sst s0  }
0x18: {  	s0 =	sld [smem:$0x3F90];
	_ =	swait.ge [sflag:s4], $0x0  }
0x19: {  	s7 =	sld [smem:$0x3F91]  }
0x1a: {  	s8 =	sadd.s32 $0xFFFFE003, lr  }
0x1b: {  	s9 =	sadd.s32 $0xFFFFFEF7, lr;
	s5 =	simm.s32 $0xFFFFFFFF;
	p2 =	slt.u32 s8, $0xFFFFF086  }
0x1c: {  	p1 =	slt.u32 s9, $0xF7A;
	s5 =	simm.s32 @!p2 $0x0  }
0x1d: {  	s5 =	simm.s32 @p1 $0x1;
	p0 =	seq.s32 s7, s2  }
0x1e: {  	s7 =	smul.u32 @!p0 $0xF7A, s2;
	p2 =	seq.s32 @!p0 s5, $0x0  }
0x1f: {  	s9 =	smul.u32 $0xF7A, s1;
	s8 =	simm.s32 @!p0 $0x1BF5;
	p2 =	por !p2, p0  }
0x20: {  	[sflag:s8] =	ssyncset.s32 @!p0 $0xFFFFF086;
	s6 =	sadd.s32 @!p0 s3, s7;
	s7 =	simm.s32 @!p0 $0x108  }
0x21: {  	s3 =	sadd.s32 s3, s9;
	s6 =	sadd.s32 @!p0 $0x88, s6;
	s7 =	simm.s32 @p2 $0x1082  }
0x22: {  	[simem:s7], [sflag:s8] =	dma.local @!p0 [hbm:s6], $0xF7A  }
0x23: {  	s9 =	sor.u32 $0xD0000000, s2;
	s6 =	simm.s32 $0x108;
	_ =	swait.ge @!p0 [sflag:s8], $0x0  }
0x24: {  	s3 =	sadd.s32 $0x88, s3;
	s6 =	simm.s32 @!p1 $0x1082;
	[sflag:s4] =	ssyncset.s32 $0xFFFFF086  }
0x25: {  	[simem:s6], [sflag:s4] =	dma.local [hbm:s3], $0xF7A  }
0x26: {  	[smem:$0x3F91] =	sst s1;
	(tag) =	ssettag s2;
	_ =	strace s9  }
0x27: {  	s1 =	sld [smem:$0x3FA1]  }
0x28: {  	s2 =	sld [smem:$0x3FA2]  }
0x29: {  	s4 =	sld [smem:$0x3FA4]  }
0x2a: {  	p0 =	seq.s32 s5, $0x0;
	s5 =	sld [smem:$0x3FA5]  }
0x2b: {  	s6 =	sld [smem:$0x3FA6]  }
0x2c: {  	s7 =	sld [smem:$0x3FA7]  }
0x2d: {  	s3 =	simm.s32 $0x108;
	s8 =	sld [smem:$0x3FA8]  }
0x2e: {  	s3 =	simm.s32 @!p0 $0x1082;
	s9 =	sld [smem:$0x3FA9]  }
0x2f: {  	lr =	sadd.s32 s0, s3;
	s0 =	sld [smem:$0x3FA0]  }
0x30: {  	s3 =	sld [smem:$0x3FA3]  }
0x31: {  	[smem:$0x3FAC] =	sst s10  }
0x32: {  	s10 =	sld [smem:$0x3FAA];
	_ =	sdelay $0x3  }
0x33: {  	p0 =	seq.s32 s10, $0x1;
	s10 =	sld [smem:$0x3FAC];
	_ =	sdelay $0x3  }
0x34: {  	[smem:$0x3FAC] =	sst s10  }
0x35: {  	s10 =	sld [smem:$0x3FAB];
	_ =	sdelay $0x3  }
0x36: {  	p1 =	seq.s32 s10, $0x1;
	s10 =	sld [smem:$0x3FAC];
	_ =	sdelay $0x3  }
0x37: {  	[smem:$0x3FAC] =	sst s10  }
0x38: {  	s10 =	sld [smem:$0x3FAD]  }
0x39: {  	_ = 	snop;
	(pc) =	sbr.ind lr, $3  }
0x3a: {  	_ = 	snop  }
0x3b: {  	_ = 	snop  }
0x3c: {  	p2 =	seq.s32 s10, $0x1;
	s10 =	sld [smem:$0x3FAC]  }
0x3d: {  	_ =	shalt  }
0x3e: {  	_ =	shalt  }
0x3f: {  	_ =	shalt  }
0x40: {  	_ =	shalt  }
0x41: {  	_ =	shalt  }
0x42: {  	_ =	shalt  }
0x43: {  	_ =	shalt  }
0x44: {  	_ =	shalt  }
0x45: {  	_ =	shalt  }
0x46: {  	_ =	shalt  }
0x47: {  	_ =	shalt  }
0x48: {  	_ =	shalt  }
0x49: {  	_ =	shalt  }
0x4a: {  	_ =	shalt  }
0x4b: {  	_ =	shalt  }
0x4c: {  	_ =	shalt  }
0x4d: {  	_ =	shalt  }
0x4e: {  	_ =	shalt  }
0x4f: {  	_ =	shalt  }
0x50: {  	_ =	shalt  }
0x51: {  	_ =	shalt  }
0x52: {  	_ =	shalt  }
0x53: {  	_ =	shalt  }
0x54: {  	_ =	shalt  }
0x55: {  	_ =	shalt  }
0x56: {  	_ =	shalt  }
0x57: {  	_ =	shalt  }
0x58: {  	_ =	shalt  }
0x59: {  	_ =	shalt  }
0x5a: {  	_ =	shalt  }
0x5b: {  	_ =	shalt  }
0x5c: {  	_ =	shalt  }
0x5d: {  	_ =	shalt  }
0x5e: {  	_ =	shalt  }
0x5f: {  	_ =	shalt  }
0x60: {  	_ =	shalt  }
0x61: {  	_ =	shalt  }
0x62: {  	_ =	shalt  }
0x63: {  	_ =	shalt  }
0x64: {  	_ =	shalt  }
0x65: {  	_ =	shalt  }
0x66: {  	_ =	shalt  }
0x67: {  	_ =	shalt  }
0x68: {  	_ =	shalt  }
0x69: {  	_ =	shalt  }
0x6a: {  	_ =	shalt  }
0x6b: {  	_ =	shalt  }
0x6c: {  	_ =	shalt  }
0x6d: {  	_ =	shalt  }
0x6e: {  	_ =	shalt  }
0x6f: {  	_ =	shalt  }
0x70: {  	_ =	shalt  }
0x71: {  	_ =	shalt  }
0x72: {  	_ =	shalt  }
0x73: {  	_ =	shalt  }
0x74: {  	_ =	shalt  }
0x75: {  	_ =	shalt  }
0x76: {  	_ =	shalt  }
0x77: {  	_ =	shalt  }
0x78: {  	_ =	shalt  }
0x79: {  	_ =	shalt  }
0x7a: {  	_ =	shalt  }
0x7b: {  	_ =	shalt  }
0x7c: {  	_ =	shalt  }
0x7d: {  	_ =	shalt  }
0x7e: {  	_ =	shalt  }
0x7f: {  	_ =	shalt  }
0x80: {  	_ =	shalt  }
0x81: {  	_ =	shalt  }
0x82: {  	_ =	shalt  }
0x83: {  	_ =	shalt  }
0x84: {  	_ =	shalt  }
0x85: {  	_ =	shalt  }
0x86: {  	_ =	shalt  }
0x87: {  	_ =	shalt  }
.Lfunc_end0:
.L_simem_size_0:
called_computation_lowered:
.L_overlay_start_0:
0x88: {  	s2 =	sld [smem:$0x3FD9]  }
0x89: {  	s3 =	sld [smem:$0x3FFE];
	_ =	sdelay $0x1  }
0x8a: {  	s1 =	srdreg.scid  }
0x8b: {  	s0 =	sand.u32 $0x1, s1  }
0x8c: {  	s16 =	sshll.u32 s0, $0xA;
	s2 =	sadd.s32 s3, s2  }
0x8d: {  	s2 =	sadd.s32 s2, s16  }
0x8e: {  	[smem:$0x3FB8] =	sst s2  }
0x8f: {  	_ = 	snop  }
0x90: {  	(tm) =	ssettm $0x1  }
0x91: {  	s17 =	sld [smem:$0x3FFB];
	_ =	sdelay $0x3  }
0x92: {  	_ =	strace s17  }
0x93: {  	s2 =	sld [smem:$0x3FFC];
	_ =	sdelay $0x3  }
0x94: {  	_ =	strace s2  }
0x95: {  	s2 =	sld [smem:$0x3FFD];
	_ =	sdelay $0x3  }
0x96: {  	_ =	strace s2  }
0x97: {  	_ =	strace $0x8FFFFFFF  }
0x98: {  	s18 =	sld [smem:$0x3FDB];
	_ =	sdelay $0x1  }
0x99: {  	s19 =	simm.s32 $_scs_section_size  }
0x9a: {  	s4 =	simm.s32 $_size__tile_overlayer_lowered;
	s5 =	simm.s32 $_tile_overlayer_lowered  }
0x9b: {  	s22 =	simm.s32 $0x1BFF;
	s21 =	sshll.u32 s5, $0x1;
	s2 =	sadd.s32 s19, s18  }
0x9c: {  	s6 =	simm.s32 $0x0;
	s20 =	sshll.u32 s4, $0x1;
	s4 =	sadd.s32 s21, s2  }
0x9d: {  	[timem:s6], [sflag:s22] =	dma.local [hbm:s4], s20  }
0x9e: {  	_ =	swait.ge [sflag:s22], s20  }
0x9f: {  	s3 =	ssub.s32 $0x0, s20;
	[sflag:s22] =	ssyncset.done $0x0  }
0xa0: {  	[sflag:s22] =	ssyncadd.s32 s3;
	_ =	sdelay $0x1  }
0xa1: {  	s23 =	simm.s32 $0x1B8B  }
0xa2: {  	_ =	swait.ge [sflag:s23], $0x1  }
0xa3: {  	[sflag:s23] =	ssyncset.done $0x0  }
0xa4: {  	s25 =	simm.s32 $0x1B8E;
	s24 =	sld [smem:$0x3FFE];
	[sflag:s23] =	ssyncadd.s32 $0xFFFFFFFF  }
0xa5: {  	s26 =	simm.s32 $execute0_lowered;
	[smem:$0x3FD2] =	sst s25  }
0xa6: {  	s4 =	sshll.u32 s26, $0x1;
	_ =	strace $0x80000046;
	[dreg:$0x1] =	wrdreg $0xFFFFFFFF  }
0xa7: {  	s28 =	simm.s32 $_size_execute0_lowered;
	s2 =	sadd.s32 s2, s4;
	[dreg:$0x0] =	wrdreg $0x0  }
0xa8: {  	s4 =	sshll.u32 s28, $0x1;
	[dreg:$0x2] =	wrdreg s2  }
0xa9: {  	[dreg:$0x3] =	wrdreg s4  }
0xaa: {  	[dreg:$0x4] =	wrdreg $0xC0  }
0xab: {  	_ =	task [dreg:s6], $0x5FFFF  }
0xac: {  	[dreg:$0x1] =	wrdreg $0xFFFFFFFF  }
0xad: {  	[dreg:$0x0] =	wrdreg $0x60  }
0xae: {  	[dreg:$0x2] =	wrdreg s24  }
0xaf: {  	[dreg:$0x3] =	wrdreg $0x9  }
0xb0: {  	_ =	task.clear_ibuf [dreg:s6], $0x4FFFF;
	_ =	strace $0x90000046  }
0xb1: {  	s29 =	simm.s32 $0x9;
	_ =	strace $0x80000048  }
0xb2: {  	_ =	swait.ge [sflag:s29], $0x1  }
0xb3: {  	[sflag:s29] =	ssyncadd.s32 $0xFFFFFFFF  }
0xb4: {  	_ =	strace $0x90000048  }
0xb5: {  	_ =	sfence  }
0xb6: {  	s30 =	sld [smem:$0x0];
	_ =	sdelay $0x2  }
0xb7: {  	s31 =	sshll.u32 s1, $0xD;
	s1 =	sshrl.u32 s1, $0x2  }
0xb8: {  	s3 =	sand.u32 $0x4000, s31;
	s1 =	sadd.s32 s1, s30  }
0xb9: {  	s0 =	sor.u32 s3, s0;
	s1 =	sshll.u32 s1, $0x11  }
0xba: {  	s0 =	sor.u32 s1, s0  }
0xbb: {  	s0 =	sadd.s32 $0x8F2B, s0  }
0xbc: {  	[sflag:s0] =	ssyncadd.remote.s32 $0x1  }
0xbd: {  	_ =	sfence.sel $0xFFFF  }
0xbe: {  	[dreg:$0x0] =	wrdreg $0xFFFFFFFF;
	(pc) =	sbr.abs _section_cstart, $3  }
0xbf: {  	[dreg:$0x1] =	wrdreg $0xFFFFFFFF  }
0xc0: {  	_ =	task.clear_ibuf [dreg:s6], $0x2FFFF;
	_ =	strace $0x9FFFFFFF  }
0xc1: {  	(tm) =	ssettm $0x7FFFFFFF  }
tec
execute0_lowered:
.L_overlay_start_1:
0x0: {  	(tag) =	ssettag $0x1  }
0x1: {  	s3 =	rddreg [dreg:$0x0];
	s2 =	srdreg.scid  }
0x2: {  	s0 =	rddreg [dreg:$0x1];
	s1 =	stileid.u32  }
0x3: {  	s8 =	simm.s32 $0x400;
	s9 =	simm.s32 $0x0;
	s4 =	sand.u32 $0x1, s2  }
0x4: {  	s5 =	sshrl.u32 s1, $0x2;
	s6 =	sshll.u32 s1, $0x8;
	s28 =	smul.u32 $0x9E0, s1  }
0x5: {  	s2 =	simm.s32 $0x0;
	s7 =	sshll.u32 s4, $0x7;
	s5 =	smul.u32 $0x14000, s5  }
0x6: {  	[smem:$0x7FF] =	sst s2;
	s29 =	ssub.s32 $0x2, s4;
	s6 =	sor.u32 s7, s6  }
0x7: {  	s4 =	smul.u32 $0x4F0, s4;
	_ =	strace $0x80000047;
	s6 =	sand.u32 $0x380, s6  }
0x8: {  	s7 =	sadd.s32 s28, s3;
	s30 =	sshrl.u32 s29, $0x1;
	s5 =	sor.u32 s5, s6  }
0x9: {  	s31 =	sadd.s32 s4, s7;
	s7 =	simm.s32 $0x80;
	s5 =	sshrl.u32 s5, $0x3  }
0xa: {  	s6 =	simm.s32 $0x1;
	s3 =	sadd.s32 s5, s3;
	s5 =	ssub.s32 s29, s30  }
0xb: {  	v0 =	vimm.f32 $0.0e+00;
	v1 =	vimm.f32 $1.000000000e+00;
	s3 =	sadd.s32 $0xD400, s3;
	s4 =	smax.u32 s5, $0x1;
	s5 =	sadd.s32 $0x3600, s31  }
.LBB2_1:
0xc: {  	s10 =	simm.s32 $0x0  }
.LBB2_2:
0xd: {  	p0 =	sne.s32 s10, $0x9FC0  }
.Ltmp0:
0xe: {  	_ = 	snop;
	(pc) =	sbr.rel @p0 .LBB2_2-.Ltmp0, $3  }
0xf: {  	_ =	sdelay $0x1  }
0x10: {  	s11 =	sshra.s32 s10, $0x2  }
0x11: {  	s10 =	sadd.s32 $0x40, s10;
	[tilespmem:s11+$0x80] =	vst v0  }
0x12: {  	s10 =	simm.s32 $0x0  }
.LBB2_4:
0x13: {  	s11 =	sadd.s32 s10, s5  }
0x14: {  	[tilespmem:s2], [sflag:$0x1] =	stream.linear.gather [hbm4b:s11+s2], $0x80, $0x38;
	[tilespmem:$0x2880] =	vst v63  }
0x15: {  	_ =	swait.ge [sflag:s6], $0x80  }
0x16: {  	[sflag:s6] =	ssyncset.done $0x0  }
0x17: {  	[sflag:s6] =	ssyncadd.s32 $0xFFFFFF80  }
0x18: {  	v2 =	vld [tilespmem:$0x0];
	_ =	sdelay $0x7  }
0x19: {  	[tilespmem:v2+s7+$0x0] =	vst.idx.add.f32.msk $0xffff, v1  }
0x1a: {  	v2 =	vld [tilespmem:$0x10];
	_ =	sdelay $0x7  }
0x1b: {  	[tilespmem:v2+s7+$0x0] =	vst.idx.add.f32.msk $0xffff, v1  }
0x1c: {  	v2 =	vld [tilespmem:$0x20];
	_ =	sdelay $0x7  }
0x1d: {  	[tilespmem:v2+s7+$0x0] =	vst.idx.add.f32.msk $0xffff, v1  }
0x1e: {  	v2 =	vld [tilespmem:$0x30];
	_ =	sdelay $0x7  }
0x1f: {  	[tilespmem:v2+s7+$0x0] =	vst.idx.add.f32.msk $0xffff, v1  }
0x20: {  	v2 =	vld [tilespmem:$0x40];
	_ =	sdelay $0x7  }
0x21: {  	[tilespmem:v2+s7+$0x0] =	vst.idx.add.f32.msk $0xffff, v1  }
0x22: {  	v2 =	vld [tilespmem:$0x50];
	_ =	sdelay $0x7  }
0x23: {  	[tilespmem:v2+s7+$0x0] =	vst.idx.add.f32.msk $0xffff, v1  }
0x24: {  	v2 =	vld [tilespmem:$0x60];
	_ =	sdelay $0x7  }
0x25: {  	[tilespmem:v2+s7+$0x0] =	vst.idx.add.f32.msk $0xffff, v1  }
0x26: {  	v2 =	vld [tilespmem:$0x70];
	_ =	sdelay $0x2  }
0x27: {  	p0 =	sne.s32 s10, $0x4E0  }
.Ltmp1:
0x28: {  	_ = 	snop;
	(pc) =	sbr.rel @p0 .LBB2_4-.Ltmp1, $2  }
0x29: {  	_ =	sdelay $0x2  }
0x2a: {  	s10 =	sadd.s32 $0x10, s10;
	[tilespmem:v2+s7+$0x0] =	vst.idx.add.f32.msk $0xffff, v1  }
0x2b: {  	s9 =	sadd.s32 $0x1, s9  }
0x2c: {  	p0 =	sne.s32 s9, s4  }
.Ltmp2:
0x2d: {  	_ = 	snop;
	(pc) =	sbr.rel @p0 .LBB2_1-.Ltmp2, $4  }
0x2e: {  	[hbm4b:s3+s7] =	stream.strided.scatter [tilespmem:s7], [sflag:$0x1], $0x2800, s8, s7, $0x38;
	[tilespmem:$0x2880] =	vst v63  }
0x2f: {  	_ =	swait.ge [sflag:s6], $0x2800  }
0x30: {  	[sflag:s6] =	ssyncset.done $0x0  }
0x31: {  	[sflag:s6] =	ssyncadd.s32 $0xFFFFD800  }
0x32: {  	_ =	sfence.sel $0x180000  }
0x33: {  	[bflag:$0x0] =	sbarrier.arrive $0xFFFF  }
0x34: {  	p0 =	sne.s32 s1, $0x0;
	_ =	strace $0x90000047  }
0x35: {  	s0 =	sadd.s32 @!p0 $0x100000, s0;
	[bflag:$0x2] =	sbarrier.arrive $0xFFFF  }
0x36: {  	[sflag:s0] =	ssyncadd.tile.s32 @!p0 $0x1;
	_ =	shalt  }
.Lfunc_end2:
_tile_overlayer_lowered:
.L_overlay_start_2:
0x37: {  	(tag) =	ssettag $0x2  }
0x38: {  	s0 =	rddreg [dreg:$0x0];
	s2 =	stileid.u32  }
0x39: {  	s1 =	rddreg [dreg:$0x1];
	p0 =	sne.s32 s2, $0x0  }
0x3a: {  	s3 =	rddreg [dreg:$0x2];
	[bflag:$0x3] =	sbarrier.arrive $0xFFFF;
	s2 =	simm.s32 @!p0 $0x1C01  }
0x3b: {  	[timem:s3], [sflag:s2] =	dma.local @!p0 [hbm:s0], s1  }
0x3c: {  	s0 =	simm.s32 @!p0 $0x1  }
0x3d: {  	_ =	swait.ge @!p0 [sflag:s0], s1  }
0x3e: {  	s1 =	ssub.s32 @!p0 $0x0, s1;
	[sflag:s0] =	ssyncset.done @!p0 $0x0  }
0x3f: {  	[sflag:s0] =	ssyncadd.s32 @!p0 s1  }
0x40: {  	[bflag:$0x3] =	sbarrier.arrive $0xFFFF  }
0x41: {  	_ =	shalt  }

</sc_bundles>
